<compile_context>
chip_gen: v7x
topology: tpu7x:2x2x1
jax: 0.10.2.dev20260603
libtpu: 0.0.44.dev20260713+nightly
codegen_flags: <defaults>
</compile_context>

<pallas_src>
import functools

import jax
import jax.numpy as jnp
from jax import lax
from jax.experimental import pallas as pl
from jax.experimental.pallas import tpu as pltpu
from jax.experimental.pallas import tpu_sc as plsc

NC = 2
NS = 16
NW = NC * NS
LANES = 16

CB = 4


def _sc_bag_sums(x, emb, B, L, D):
    BPT = B // NW
    NCHUNK = BPT // CB
    n_full = L // 128
    rem = L - n_full * 128
    pieces = [(i * 128, 128) for i in range(n_full)]
    if rem:
        pieces.append((n_full * 128, rem))

    mesh = plsc.VectorSubcoreMesh(core_axis_name="c", subcore_axis_name="s")

    @functools.partial(
        pl.kernel,
        out_type=jax.ShapeDtypeStruct((B, D), jnp.float32),
        mesh=mesh,
        compiler_params=pltpu.CompilerParams(use_tc_tiling_on_sc=False),
        scratch_types=[
            pltpu.VMEM((CB, L), jnp.int32),
            pltpu.VMEM((CB, L), jnp.int32),
            pltpu.VMEM((CB * L, D), jnp.float32),
            pltpu.VMEM((CB * L, D), jnp.float32),
            pltpu.VMEM((BPT, D), jnp.float32),
            pltpu.SemaphoreType.DMA,
            pltpu.SemaphoreType.DMA,
            pltpu.SemaphoreType.DMA,
            pltpu.SemaphoreType.DMA,
        ],
    )
    def body(x_hbm, emb_hbm, out_hbm, idx0, idx1, rows0, rows1, out_v,
             semg0, semg1, semi0, semi1):
        cid = lax.axis_index("c")
        sid = lax.axis_index("s")
        wid = sid * NC + cid
        base = wid * BPT
        bufs = ((idx0, rows0, semg0, semi0), (idx1, rows1, semg1, semi1))

        def fire_idx(c, buf):
            idx_v, _, _, semi = buf
            pltpu.async_copy(x_hbm.at[pl.ds(base + c * CB, CB)], idx_v, semi)

        def wait_idx(buf):
            idx_v, _, _, semi = buf
            pltpu.make_async_copy(x_hbm.at[pl.ds(base, CB)], idx_v, semi).wait()

        def gather_descs(buf, make_only):
            idx_v, rows_v, semg, _ = buf
            mk = pltpu.make_async_copy if make_only else (
                lambda s, d, sm: pltpu.async_copy(s, d, sm))
            return [
                mk(emb_hbm.at[idx_v.at[j, pl.ds(off, n)]],
                   rows_v.at[pl.ds(j * L + off, n)], semg)
                for j in range(CB) for (off, n) in pieces
            ]

        def reduce_chunk(c, buf):
            rows_v = buf[1]
            for j in range(CB):
                def red(i, carry):
                    a0, a1 = carry
                    r = j * L + i
                    return (a0 + rows_v[r, pl.ds(0, LANES)],
                            a1 + rows_v[r, pl.ds(LANES, LANES)])
                zero = jnp.zeros((LANES,), jnp.float32)
                a0, a1 = lax.fori_loop(0, L, red, (zero, zero), unroll=8)
                row = c * CB + j
                out_v[row, pl.ds(0, LANES)] = a0
                out_v[row, pl.ds(LANES, LANES)] = a1

        fire_idx(0, bufs[0])
        fire_idx(1, bufs[1])
        wait_idx(bufs[0])
        gather_descs(bufs[0], make_only=False)

        @pl.loop(0, NCHUNK // 2)
        def pipe(t):
            for b_ in (0, 1):
                c = t * 2 + b_
                cur, nxt = bufs[b_], bufs[1 - b_]

                @pl.when(c + 1 < NCHUNK)
                def _():
                    wait_idx(nxt)
                    gather_descs(nxt, make_only=False)

                for d in gather_descs(cur, make_only=True):
                    d.wait()

                @pl.when(c + 2 < NCHUNK)
                def _():
                    fire_idx(c + 2, cur)

                reduce_chunk(c, cur)

        pltpu.sync_copy(out_v, out_hbm.at[pl.ds(base, BPT)])

    return body(x, emb)


def _tc_head_body(s_ref, l_ref, w_ref, b_ref, o_ref):
    denom = jnp.maximum(l_ref[...].astype(jnp.float32), 1.0)
    mean = s_ref[...] / denom
    acc = lax.dot_general(mean, w_ref[...],
                          (((1,), (1,)), ((), ())),
                          preferred_element_type=jnp.float32)
    o_ref[...] = acc + b_ref[...]


def _tc_head(sums, lengths, W, b, B, D, C):
    BLK = 2048
    len2d = lengths.astype(jnp.int32).reshape(B, 1)
    b2d = b.reshape(1, C)
    return pl.pallas_call(
        _tc_head_body,
        grid=(B // BLK,),
        in_specs=[
            pl.BlockSpec((BLK, D), lambda i: (i, 0)),
            pl.BlockSpec((BLK, 1), lambda i: (i, 0)),
            pl.BlockSpec((C, D), lambda i: (0, 0)),
            pl.BlockSpec((1, C), lambda i: (0, 0)),
        ],
        out_specs=pl.BlockSpec((BLK, C), lambda i: (i, 0)),
        out_shape=jax.ShapeDtypeStruct((B, C), jnp.float32),
    )(sums, len2d, W, b2d)


@jax.jit
def kernel(x, lengths, emb, W, b):
    B, L = x.shape
    V, D = emb.shape
    C = W.shape[0]
    x = x.astype(jnp.int32)
    sums = _sc_bag_sums(x, emb, B, L, D)
    return _tc_head(sums, lengths, W, b, B, D, C)

# --- scband reference (transcript-rebuilt; emitter-appended) ---
"""Pipeline reference for scband-mean-pool-spr-88648124990601 (READ-ONLY COPY).

The authoritative reference and input builder live on the scoring server;
editing this copy changes nothing except your own understanding.
"""

import jax, jax.numpy as jnp
import numpy as np

B, L, V, D, C = 16384, 200, 1000000, 32, 64

def setup_inputs(seed: int = 0) -> dict:
    key = jax.random.key(seed)
    k1, k2, k3, k4 = jax.random.split(key, 4)
    x = jax.random.randint(k1, (B, L), 0, V, dtype=jnp.int64)
    lengths = jax.random.randint(k2, (B,), 0, L, dtype=jnp.int64)
    emb = jax.random.normal(k3, (V, D), dtype=jnp.float32) * 0.02
    emb = emb.at[0].set(0.0)  # padding_idx=0
    W = jax.random.normal(k4, (C, D), dtype=jnp.float32) * 0.02
    b = jnp.zeros((C,), dtype=jnp.float32)
    return {"x": x, "lengths": lengths, "emb": emb, "W": W, "b": b}

def reference(x, lengths, emb, W, b):
    e = jnp.take(emb, x, axis=0)                       # [B, L, D] gather
    mask = (x != 0)[..., None].astype(jnp.float32)     # [B, L, 1]
    summed = (e * mask).sum(axis=1)                    # [B, D]
    denom = jnp.clip(lengths, 1, None)[:, None].astype(jnp.float32)
    mean = summed / denom                              # [B, D]
    return mean @ W.T + b                              # [B, C]

if __name__ == "__main__":
    import jax
    _d = setup_inputs()
    print(jax.jit(kernel)(*tuple(_d.values())))

</pallas_src>

<mosaic_0001>
#map = affine_map<(d0, d1) -> (0, 0)>
module attributes {stable_mosaic.version = 14 : i64} {
  func.func @body(%arg0: i32, %arg1: i32, %arg2: memref<16384x200xi32, #tpu.memory_space<hbm>>, %arg3: memref<1000000x32xf32, #tpu.memory_space<hbm>>, %arg4: memref<16384x32xf32, #tpu.memory_space<hbm>>, %arg5: memref<4x200xi32, #tpu.memory_space<vmem>>, %arg6: memref<4x200xi32, #tpu.memory_space<vmem>>, %arg7: memref<800x32xf32, #tpu.memory_space<vmem>>, %arg8: memref<800x32xf32, #tpu.memory_space<vmem>>, %arg9: memref<512x32xf32, #tpu.memory_space<vmem>>, %arg10: memref<!tpu.dma_semaphore, #tpu.memory_space<semaphore_mem>>, %arg11: memref<!tpu.dma_semaphore, #tpu.memory_space<semaphore_mem>>, %arg12: memref<!tpu.dma_semaphore, #tpu.memory_space<semaphore_mem>>, %arg13: memref<!tpu.dma_semaphore, #tpu.memory_space<semaphore_mem>>) attributes {dimension_semantics = [#tpu.dimension_semantics<core_parallel>, #tpu.dimension_semantics<subcore_parallel>], iteration_bounds = array<i64: 2, 16>, scalar_prefetch = 0 : i64, scratch_operands = 9 : i64, tpu.core_type = #tpu.core_type<sc_vector_subcore>, window_params = [{transform_indices = #map}, {transform_indices = #map}, {transform_indices = #map}]} {
    %mul3A = arith.constant 2 : i32
    %mul3A_0 = arith.muli %arg1, %mul3A : i32
    %add3A = arith.addi %mul3A_0, %arg0 : i32
    %mul3A_1 = arith.constant 512 : i32
    %mul3A_2 = arith.muli %add3A, %mul3A_1 : i32
    %add3A_3 = arith.constant 0 : i32
    %add3A_4 = arith.addi %mul3A_2, %add3A_3 : i32
    %dma_start3A = arith.constant 0 : i32
    %dma_start3A_5 = tpu.memref_slice %arg2[%add3A_4, %dma_start3A] : memref<16384x200xi32, #tpu.memory_space<hbm>> -> memref<4x200xi32, #tpu.memory_space<hbm>>
    %dma_start3A_6 = arith.constant 0 : i32
    %dma_start3A_7 = tpu.memref_slice %arg2[%add3A_4, %dma_start3A_6] : memref<16384x200xi32, #tpu.memory_space<hbm>> -> memref<4x200xi32, #tpu.memory_space<hbm>>
    tpu.enqueue_dma source(%dma_start3A_7 : memref<4x200xi32, #tpu.memory_space<hbm>>) target(%arg5 : memref<4x200xi32, #tpu.memory_space<vmem>>) target_semaphore(%arg12 : memref<!tpu.dma_semaphore, #tpu.memory_space<semaphore_mem>>)
    %add3A_8 = arith.constant 4 : i32
    %add3A_9 = arith.addi %mul3A_2, %add3A_8 : i32
    %dma_start3A_10 = arith.constant 0 : i32
    %dma_start3A_11 = tpu.memref_slice %arg2[%add3A_9, %dma_start3A_10] : memref<16384x200xi32, #tpu.memory_space<hbm>> -> memref<4x200xi32, #tpu.memory_space<hbm>>
    %dma_start3A_12 = arith.constant 0 : i32
    %dma_start3A_13 = tpu.memref_slice %arg2[%add3A_9, %dma_start3A_12] : memref<16384x200xi32, #tpu.memory_space<hbm>> -> memref<4x200xi32, #tpu.memory_space<hbm>>
    tpu.enqueue_dma source(%dma_start3A_13 : memref<4x200xi32, #tpu.memory_space<hbm>>) target(%arg6 : memref<4x200xi32, #tpu.memory_space<vmem>>) target_semaphore(%arg13 : memref<!tpu.dma_semaphore, #tpu.memory_space<semaphore_mem>>)
    %dma_wait3A = arith.constant 0 : i32
    %dma_wait3A_14 = tpu.memref_slice %arg2[%mul3A_2, %dma_wait3A] : memref<16384x200xi32, #tpu.memory_space<hbm>> -> memref<4x200xi32, #tpu.memory_space<hbm>>
    %dma_wait3A_15 = arith.constant 0 : i32
    %dma_wait3A_16 = tpu.memref_slice %arg2[%mul3A_2, %dma_wait3A_15] : memref<16384x200xi32, #tpu.memory_space<hbm>> -> memref<4x200xi32, #tpu.memory_space<hbm>>
    tpu.wait_dma2 semaphore(%arg12 : memref<!tpu.dma_semaphore, #tpu.memory_space<semaphore_mem>>) src(%dma_wait3A_16 : memref<4x200xi32, #tpu.memory_space<hbm>>) dst(%arg5 : memref<4x200xi32, #tpu.memory_space<vmem>>)
    %dma_start3A_17 = arith.constant 0 : i32
    %dma_start3A_18 = arith.constant 0 : i32
    %dma_start3A_19 = arith.constant 0 : i32
    %dma_start3A_20 = tpu.memref_slice %arg7[%dma_start3A_18, %dma_start3A_19] : memref<800x32xf32, #tpu.memory_space<vmem>> -> memref<128x32xf32, #tpu.memory_space<vmem>>
    %dma_start3A_21 = arith.constant 0 : i32
    %dma_start3A_22 = tpu.memref_slice %arg5[%dma_start3A_17, %dma_start3A_21] : memref<4x200xi32, #tpu.memory_space<vmem>> -> memref<1x128xi32, #tpu.memory_space<vmem>>
    %dma_start3A_23 = tpu.memref_squeeze %dma_start3A_22 : memref<1x128xi32, #tpu.memory_space<vmem>> -> memref<128xi32, #tpu.memory_space<vmem>>
    %dma_start3A_24 = arith.constant 0 : i32
    %dma_start3A_25 = arith.constant 0 : i32
    %dma_start3A_26 = tpu.memref_slice %arg3[%dma_start3A_24, %dma_start3A_25] : memref<1000000x32xf32, #tpu.memory_space<hbm>> -> memref<1000000x32xf32, #tpu.memory_space<hbm>>
    tpu.enqueue_indirect_dma source(%dma_start3A_26 : memref<1000000x32xf32, #tpu.memory_space<hbm>>) target(%dma_start3A_20 : memref<128x32xf32, #tpu.memory_space<vmem>>) offsets(%dma_start3A_23 : memref<128xi32, #tpu.memory_space<vmem>>) semaphore(%arg10 : memref<!tpu.dma_semaphore, #tpu.memory_space<semaphore_mem>>)
    %dma_start3A_27 = arith.constant 0 : i32
    %dma_start3A_28 = arith.constant 128 : i32
    %dma_start3A_29 = arith.constant 0 : i32
    %dma_start3A_30 = tpu.memref_slice %arg7[%dma_start3A_28, %dma_start3A_29] : memref<800x32xf32, #tpu.memory_space<vmem>> -> memref<72x32xf32, #tpu.memory_space<vmem>>
    %dma_start3A_31 = arith.constant 128 : i32
    %dma_start3A_32 = tpu.memref_slice %arg5[%dma_start3A_27, %dma_start3A_31] : memref<4x200xi32, #tpu.memory_space<vmem>> -> memref<1x72xi32, #tpu.memory_space<vmem>>
    %dma_start3A_33 = tpu.memref_squeeze %dma_start3A_32 : memref<1x72xi32, #tpu.memory_space<vmem>> -> memref<72xi32, #tpu.memory_space<vmem>>
    %dma_start3A_34 = arith.constant 0 : i32
    %dma_start3A_35 = arith.constant 0 : i32
    %dma_start3A_36 = tpu.memref_slice %arg3[%dma_start3A_34, %dma_start3A_35] : memref<1000000x32xf32, #tpu.memory_space<hbm>> -> memref<1000000x32xf32, #tpu.memory_space<hbm>>
    tpu.enqueue_indirect_dma source(%dma_start3A_36 : memref<1000000x32xf32, #tpu.memory_space<hbm>>) target(%dma_start3A_30 : memref<72x32xf32, #tpu.memory_space<vmem>>) offsets(%dma_start3A_33 : memref<72xi32, #tpu.memory_space<vmem>>) semaphore(%arg10 : memref<!tpu.dma_semaphore, #tpu.memory_space<semaphore_mem>>)
    %dma_start3A_37 = arith.constant 1 : i32
    %dma_start3A_38 = arith.constant 200 : i32
    %dma_start3A_39 = arith.constant 0 : i32
    %dma_start3A_40 = tpu.memref_slice %arg7[%dma_start3A_38, %dma_start3A_39] : memref<800x32xf32, #tpu.memory_space<vmem>> -> memref<128x32xf32, #tpu.memory_space<vmem>>
    %dma_start3A_41 = arith.constant 0 : i32
    %dma_start3A_42 = tpu.memref_slice %arg5[%dma_start3A_37, %dma_start3A_41] : memref<4x200xi32, #tpu.memory_space<vmem>> -> memref<1x128xi32, #tpu.memory_space<vmem>>
    %dma_start3A_43 = tpu.memref_squeeze %dma_start3A_42 : memref<1x128xi32, #tpu.memory_space<vmem>> -> memref<128xi32, #tpu.memory_space<vmem>>
    %dma_start3A_44 = arith.constant 0 : i32
    %dma_start3A_45 = arith.constant 0 : i32
    %dma_start3A_46 = tpu.memref_slice %arg3[%dma_start3A_44, %dma_start3A_45] : memref<1000000x32xf32, #tpu.memory_space<hbm>> -> memref<1000000x32xf32, #tpu.memory_space<hbm>>
    tpu.enqueue_indirect_dma source(%dma_start3A_46 : memref<1000000x32xf32, #tpu.memory_space<hbm>>) target(%dma_start3A_40 : memref<128x32xf32, #tpu.memory_space<vmem>>) offsets(%dma_start3A_43 : memref<128xi32, #tpu.memory_space<vmem>>) semaphore(%arg10 : memref<!tpu.dma_semaphore, #tpu.memory_space<semaphore_mem>>)
    %dma_start3A_47 = arith.constant 1 : i32
    %dma_start3A_48 = arith.constant 328 : i32
    %dma_start3A_49 = arith.constant 0 : i32
    %dma_start3A_50 = tpu.memref_slice %arg7[%dma_start3A_48, %dma_start3A_49] : memref<800x32xf32, #tpu.memory_space<vmem>> -> memref<72x32xf32, #tpu.memory_space<vmem>>
    %dma_start3A_51 = arith.constant 128 : i32
    %dma_start3A_52 = tpu.memref_slice %arg5[%dma_start3A_47, %dma_start3A_51] : memref<4x200xi32, #tpu.memory_space<vmem>> -> memref<1x72xi32, #tpu.memory_space<vmem>>
    %dma_start3A_53 = tpu.memref_squeeze %dma_start3A_52 : memref<1x72xi32, #tpu.memory_space<vmem>> -> memref<72xi32, #tpu.memory_space<vmem>>
    %dma_start3A_54 = arith.constant 0 : i32
    %dma_start3A_55 = arith.constant 0 : i32
    %dma_start3A_56 = tpu.memref_slice %arg3[%dma_start3A_54, %dma_start3A_55] : memref<1000000x32xf32, #tpu.memory_space<hbm>> -> memref<1000000x32xf32, #tpu.memory_space<hbm>>
    tpu.enqueue_indirect_dma source(%dma_start3A_56 : memref<1000000x32xf32, #tpu.memory_space<hbm>>) target(%dma_start3A_50 : memref<72x32xf32, #tpu.memory_space<vmem>>) offsets(%dma_start3A_53 : memref<72xi32, #tpu.memory_space<vmem>>) semaphore(%arg10 : memref<!tpu.dma_semaphore, #tpu.memory_space<semaphore_mem>>)
    %dma_start3A_57 = arith.constant 2 : i32
    %dma_start3A_58 = arith.constant 400 : i32
    %dma_start3A_59 = arith.constant 0 : i32
    %dma_start3A_60 = tpu.memref_slice %arg7[%dma_start3A_58, %dma_start3A_59] : memref<800x32xf32, #tpu.memory_space<vmem>> -> memref<128x32xf32, #tpu.memory_space<vmem>>
    %dma_start3A_61 = arith.constant 0 : i32
    %dma_start3A_62 = tpu.memref_slice %arg5[%dma_start3A_57, %dma_start3A_61] : memref<4x200xi32, #tpu.memory_space<vmem>> -> memref<1x128xi32, #tpu.memory_space<vmem>>
    %dma_start3A_63 = tpu.memref_squeeze %dma_start3A_62 : memref<1x128xi32, #tpu.memory_space<vmem>> -> memref<128xi32, #tpu.memory_space<vmem>>
    %dma_start3A_64 = arith.constant 0 : i32
    %dma_start3A_65 = arith.constant 0 : i32
    %dma_start3A_66 = tpu.memref_slice %arg3[%dma_start3A_64, %dma_start3A_65] : memref<1000000x32xf32, #tpu.memory_space<hbm>> -> memref<1000000x32xf32, #tpu.memory_space<hbm>>
    tpu.enqueue_indirect_dma source(%dma_start3A_66 : memref<1000000x32xf32, #tpu.memory_space<hbm>>) target(%dma_start3A_60 : memref<128x32xf32, #tpu.memory_space<vmem>>) offsets(%dma_start3A_63 : memref<128xi32, #tpu.memory_space<vmem>>) semaphore(%arg10 : memref<!tpu.dma_semaphore, #tpu.memory_space<semaphore_mem>>)
    %dma_start3A_67 = arith.constant 2 : i32
    %dma_start3A_68 = arith.constant 528 : i32
    %dma_start3A_69 = arith.constant 0 : i32
    %dma_start3A_70 = tpu.memref_slice %arg7[%dma_start3A_68, %dma_start3A_69] : memref<800x32xf32, #tpu.memory_space<vmem>> -> memref<72x32xf32, #tpu.memory_space<vmem>>
    %dma_start3A_71 = arith.constant 128 : i32
    %dma_start3A_72 = tpu.memref_slice %arg5[%dma_start3A_67, %dma_start3A_71] : memref<4x200xi32, #tpu.memory_space<vmem>> -> memref<1x72xi32, #tpu.memory_space<vmem>>
    %dma_start3A_73 = tpu.memref_squeeze %dma_start3A_72 : memref<1x72xi32, #tpu.memory_space<vmem>> -> memref<72xi32, #tpu.memory_space<vmem>>
    %dma_start3A_74 = arith.constant 0 : i32
    %dma_start3A_75 = arith.constant 0 : i32
    %dma_start3A_76 = tpu.memref_slice %arg3[%dma_start3A_74, %dma_start3A_75] : memref<1000000x32xf32, #tpu.memory_space<hbm>> -> memref<1000000x32xf32, #tpu.memory_space<hbm>>
    tpu.enqueue_indirect_dma source(%dma_start3A_76 : memref<1000000x32xf32, #tpu.memory_space<hbm>>) target(%dma_start3A_70 : memref<72x32xf32, #tpu.memory_space<vmem>>) offsets(%dma_start3A_73 : memref<72xi32, #tpu.memory_space<vmem>>) semaphore(%arg10 : memref<!tpu.dma_semaphore, #tpu.memory_space<semaphore_mem>>)
    %dma_start3A_77 = arith.constant 3 : i32
    %dma_start3A_78 = arith.constant 600 : i32
    %dma_start3A_79 = arith.constant 0 : i32
    %dma_start3A_80 = tpu.memref_slice %arg7[%dma_start3A_78, %dma_start3A_79] : memref<800x32xf32, #tpu.memory_space<vmem>> -> memref<128x32xf32, #tpu.memory_space<vmem>>
    %dma_start3A_81 = arith.constant 0 : i32
    %dma_start3A_82 = tpu.memref_slice %arg5[%dma_start3A_77, %dma_start3A_81] : memref<4x200xi32, #tpu.memory_space<vmem>> -> memref<1x128xi32, #tpu.memory_space<vmem>>
    %dma_start3A_83 = tpu.memref_squeeze %dma_start3A_82 : memref<1x128xi32, #tpu.memory_space<vmem>> -> memref<128xi32, #tpu.memory_space<vmem>>
    %dma_start3A_84 = arith.constant 0 : i32
    %dma_start3A_85 = arith.constant 0 : i32
    %dma_start3A_86 = tpu.memref_slice %arg3[%dma_start3A_84, %dma_start3A_85] : memref<1000000x32xf32, #tpu.memory_space<hbm>> -> memref<1000000x32xf32, #tpu.memory_space<hbm>>
    tpu.enqueue_indirect_dma source(%dma_start3A_86 : memref<1000000x32xf32, #tpu.memory_space<hbm>>) target(%dma_start3A_80 : memref<128x32xf32, #tpu.memory_space<vmem>>) offsets(%dma_start3A_83 : memref<128xi32, #tpu.memory_space<vmem>>) semaphore(%arg10 : memref<!tpu.dma_semaphore, #tpu.memory_space<semaphore_mem>>)
    %dma_start3A_87 = arith.constant 3 : i32
    %dma_start3A_88 = arith.constant 728 : i32
    %dma_start3A_89 = arith.constant 0 : i32
    %dma_start3A_90 = tpu.memref_slice %arg7[%dma_start3A_88, %dma_start3A_89] : memref<800x32xf32, #tpu.memory_space<vmem>> -> memref<72x32xf32, #tpu.memory_space<vmem>>
    %dma_start3A_91 = arith.constant 128 : i32
    %dma_start3A_92 = tpu.memref_slice %arg5[%dma_start3A_87, %dma_start3A_91] : memref<4x200xi32, #tpu.memory_space<vmem>> -> memref<1x72xi32, #tpu.memory_space<vmem>>
    %dma_start3A_93 = tpu.memref_squeeze %dma_start3A_92 : memref<1x72xi32, #tpu.memory_space<vmem>> -> memref<72xi32, #tpu.memory_space<vmem>>
    %dma_start3A_94 = arith.constant 0 : i32
    %dma_start3A_95 = arith.constant 0 : i32
    %dma_start3A_96 = tpu.memref_slice %arg3[%dma_start3A_94, %dma_start3A_95] : memref<1000000x32xf32, #tpu.memory_space<hbm>> -> memref<1000000x32xf32, #tpu.memory_space<hbm>>
    tpu.enqueue_indirect_dma source(%dma_start3A_96 : memref<1000000x32xf32, #tpu.memory_space<hbm>>) target(%dma_start3A_90 : memref<72x32xf32, #tpu.memory_space<vmem>>) offsets(%dma_start3A_93 : memref<72xi32, #tpu.memory_space<vmem>>) semaphore(%arg10 : memref<!tpu.dma_semaphore, #tpu.memory_space<semaphore_mem>>)
    %scan3A = arith.constant 0 : i32
    %scan3A_97 = arith.constant 64 : i32
    %scan3A_98 = arith.addi %scan3A, %scan3A_97 : i32
    %scan3A_99 = arith.constant 1 : i32
    scf.for %scan3A_101 = %scan3A to %scan3A_98 step %scan3A_99  : i32 {
      %mul3A_102 = arith.constant 1 : i32
      %mul3A_103 = arith.muli %scan3A_101, %mul3A_102 : i32
      %add3A_104 = arith.constant 0 : i32
      %add3A_105 = arith.addi %add3A_104, %mul3A_103 : i32
      %mul3A_106 = arith.constant 2 : i32
      %mul3A_107 = arith.muli %add3A_105, %mul3A_106 : i32
      %add3A_108 = arith.constant 0 : i32
      %add3A_109 = arith.addi %mul3A_107, %add3A_108 : i32
      %add3A_110 = arith.constant 1 : i32
      %add3A_111 = arith.addi %add3A_109, %add3A_110 : i32
      %lt3A = arith.constant 128 : i32
      %lt3A_112 = arith.cmpi slt, %add3A_111, %lt3A : i32
      %convert_element_type3A = arith.extui %lt3A_112 : i1 to i32
      %cond3A = arith.constant 0 : i32
      %cond3A_113 = arith.cmpi ne, %convert_element_type3A, %cond3A : i32
      scf.if %cond3A_113 {
        %dma_wait3A_473 = arith.constant 0 : i32
        %dma_wait3A_474 = tpu.memref_slice %arg2[%mul3A_2, %dma_wait3A_473] : memref<16384x200xi32, #tpu.memory_space<hbm>> -> memref<4x200xi32, #tpu.memory_space<hbm>>
        %dma_wait3A_475 = arith.constant 0 : i32
        %dma_wait3A_476 = tpu.memref_slice %arg2[%mul3A_2, %dma_wait3A_475] : memref<16384x200xi32, #tpu.memory_space<hbm>> -> memref<4x200xi32, #tpu.memory_space<hbm>>
        tpu.wait_dma2 semaphore(%arg13 : memref<!tpu.dma_semaphore, #tpu.memory_space<semaphore_mem>>) src(%dma_wait3A_476 : memref<4x200xi32, #tpu.memory_space<hbm>>) dst(%arg6 : memref<4x200xi32, #tpu.memory_space<vmem>>)
        %dma_start3A_477 = arith.constant 0 : i32
        %dma_start3A_478 = arith.constant 0 : i32
        %dma_start3A_479 = arith.constant 0 : i32
        %dma_start3A_480 = tpu.memref_slice %arg8[%dma_start3A_478, %dma_start3A_479] : memref<800x32xf32, #tpu.memory_space<vmem>> -> memref<128x32xf32, #tpu.memory_space<vmem>>
        %dma_start3A_481 = arith.constant 0 : i32
        %dma_start3A_482 = tpu.memref_slice %arg6[%dma_start3A_477, %dma_start3A_481] : memref<4x200xi32, #tpu.memory_space<vmem>> -> memref<1x128xi32, #tpu.memory_space<vmem>>
        %dma_start3A_483 = tpu.memref_squeeze %dma_start3A_482 : memref<1x128xi32, #tpu.memory_space<vmem>> -> memref<128xi32, #tpu.memory_space<vmem>>
        %dma_start3A_484 = arith.constant 0 : i32
        %dma_start3A_485 = arith.constant 0 : i32
        %dma_start3A_486 = tpu.memref_slice %arg3[%dma_start3A_484, %dma_start3A_485] : memref<1000000x32xf32, #tpu.memory_space<hbm>> -> memref<1000000x32xf32, #tpu.memory_space<hbm>>
        tpu.enqueue_indirect_dma source(%dma_start3A_486 : memref<1000000x32xf32, #tpu.memory_space<hbm>>) target(%dma_start3A_480 : memref<128x32xf32, #tpu.memory_space<vmem>>) offsets(%dma_start3A_483 : memref<128xi32, #tpu.memory_space<vmem>>) semaphore(%arg11 : memref<!tpu.dma_semaphore, #tpu.memory_space<semaphore_mem>>)
        %dma_start3A_487 = arith.constant 0 : i32
        %dma_start3A_488 = arith.constant 128 : i32
        %dma_start3A_489 = arith.constant 0 : i32
        %dma_start3A_490 = tpu.memref_slice %arg8[%dma_start3A_488, %dma_start3A_489] : memref<800x32xf32, #tpu.memory_space<vmem>> -> memref<72x32xf32, #tpu.memory_space<vmem>>
        %dma_start3A_491 = arith.constant 128 : i32
        %dma_start3A_492 = tpu.memref_slice %arg6[%dma_start3A_487, %dma_start3A_491] : memref<4x200xi32, #tpu.memory_space<vmem>> -> memref<1x72xi32, #tpu.memory_space<vmem>>
        %dma_start3A_493 = tpu.memref_squeeze %dma_start3A_492 : memref<1x72xi32, #tpu.memory_space<vmem>> -> memref<72xi32, #tpu.memory_space<vmem>>
        %dma_start3A_494 = arith.constant 0 : i32
        %dma_start3A_495 = arith.constant 0 : i32
        %dma_start3A_496 = tpu.memref_slice %arg3[%dma_start3A_494, %dma_start3A_495] : memref<1000000x32xf32, #tpu.memory_space<hbm>> -> memref<1000000x32xf32, #tpu.memory_space<hbm>>
        tpu.enqueue_indirect_dma source(%dma_start3A_496 : memref<1000000x32xf32, #tpu.memory_space<hbm>>) target(%dma_start3A_490 : memref<72x32xf32, #tpu.memory_space<vmem>>) offsets(%dma_start3A_493 : memref<72xi32, #tpu.memory_space<vmem>>) semaphore(%arg11 : memref<!tpu.dma_semaphore, #tpu.memory_space<semaphore_mem>>)
        %dma_start3A_497 = arith.constant 1 : i32
        %dma_start3A_498 = arith.constant 200 : i32
        %dma_start3A_499 = arith.constant 0 : i32
        %dma_start3A_500 = tpu.memref_slice %arg8[%dma_start3A_498, %dma_start3A_499] : memref<800x32xf32, #tpu.memory_space<vmem>> -> memref<128x32xf32, #tpu.memory_space<vmem>>
        %dma_start3A_501 = arith.constant 0 : i32
        %dma_start3A_502 = tpu.memref_slice %arg6[%dma_start3A_497, %dma_start3A_501] : memref<4x200xi32, #tpu.memory_space<vmem>> -> memref<1x128xi32, #tpu.memory_space<vmem>>
        %dma_start3A_503 = tpu.memref_squeeze %dma_start3A_502 : memref<1x128xi32, #tpu.memory_space<vmem>> -> memref<128xi32, #tpu.memory_space<vmem>>
        %dma_start3A_504 = arith.constant 0 : i32
        %dma_start3A_505 = arith.constant 0 : i32
        %dma_start3A_506 = tpu.memref_slice %arg3[%dma_start3A_504, %dma_start3A_505] : memref<1000000x32xf32, #tpu.memory_space<hbm>> -> memref<1000000x32xf32, #tpu.memory_space<hbm>>
        tpu.enqueue_indirect_dma source(%dma_start3A_506 : memref<1000000x32xf32, #tpu.memory_space<hbm>>) target(%dma_start3A_500 : memref<128x32xf32, #tpu.memory_space<vmem>>) offsets(%dma_start3A_503 : memref<128xi32, #tpu.memory_space<vmem>>) semaphore(%arg11 : memref<!tpu.dma_semaphore, #tpu.memory_space<semaphore_mem>>)
        %dma_start3A_507 = arith.constant 1 : i32
        %dma_start3A_508 = arith.constant 328 : i32
        %dma_start3A_509 = arith.constant 0 : i32
        %dma_start3A_510 = tpu.memref_slice %arg8[%dma_start3A_508, %dma_start3A_509] : memref<800x32xf32, #tpu.memory_space<vmem>> -> memref<72x32xf32, #tpu.memory_space<vmem>>
        %dma_start3A_511 = arith.constant 128 : i32
        %dma_start3A_512 = tpu.memref_slice %arg6[%dma_start3A_507, %dma_start3A_511] : memref<4x200xi32, #tpu.memory_space<vmem>> -> memref<1x72xi32, #tpu.memory_space<vmem>>
        %dma_start3A_513 = tpu.memref_squeeze %dma_start3A_512 : memref<1x72xi32, #tpu.memory_space<vmem>> -> memref<72xi32, #tpu.memory_space<vmem>>
        %dma_start3A_514 = arith.constant 0 : i32
        %dma_start3A_515 = arith.constant 0 : i32
        %dma_start3A_516 = tpu.memref_slice %arg3[%dma_start3A_514, %dma_start3A_515] : memref<1000000x32xf32, #tpu.memory_space<hbm>> -> memref<1000000x32xf32, #tpu.memory_space<hbm>>
        tpu.enqueue_indirect_dma source(%dma_start3A_516 : memref<1000000x32xf32, #tpu.memory_space<hbm>>) target(%dma_start3A_510 : memref<72x32xf32, #tpu.memory_space<vmem>>) offsets(%dma_start3A_513 : memref<72xi32, #tpu.memory_space<vmem>>) semaphore(%arg11 : memref<!tpu.dma_semaphore, #tpu.memory_space<semaphore_mem>>)
        %dma_start3A_517 = arith.constant 2 : i32
        %dma_start3A_518 = arith.constant 400 : i32
        %dma_start3A_519 = arith.constant 0 : i32
        %dma_start3A_520 = tpu.memref_slice %arg8[%dma_start3A_518, %dma_start3A_519] : memref<800x32xf32, #tpu.memory_space<vmem>> -> memref<128x32xf32, #tpu.memory_space<vmem>>
        %dma_start3A_521 = arith.constant 0 : i32
        %dma_start3A_522 = tpu.memref_slice %arg6[%dma_start3A_517, %dma_start3A_521] : memref<4x200xi32, #tpu.memory_space<vmem>> -> memref<1x128xi32, #tpu.memory_space<vmem>>
        %dma_start3A_523 = tpu.memref_squeeze %dma_start3A_522 : memref<1x128xi32, #tpu.memory_space<vmem>> -> memref<128xi32, #tpu.memory_space<vmem>>
        %dma_start3A_524 = arith.constant 0 : i32
        %dma_start3A_525 = arith.constant 0 : i32
        %dma_start3A_526 = tpu.memref_slice %arg3[%dma_start3A_524, %dma_start3A_525] : memref<1000000x32xf32, #tpu.memory_space<hbm>> -> memref<1000000x32xf32, #tpu.memory_space<hbm>>
        tpu.enqueue_indirect_dma source(%dma_start3A_526 : memref<1000000x32xf32, #tpu.memory_space<hbm>>) target(%dma_start3A_520 : memref<128x32xf32, #tpu.memory_space<vmem>>) offsets(%dma_start3A_523 : memref<128xi32, #tpu.memory_space<vmem>>) semaphore(%arg11 : memref<!tpu.dma_semaphore, #tpu.memory_space<semaphore_mem>>)
        %dma_start3A_527 = arith.constant 2 : i32
        %dma_start3A_528 = arith.constant 528 : i32
        %dma_start3A_529 = arith.constant 0 : i32
        %dma_start3A_530 = tpu.memref_slice %arg8[%dma_start3A_528, %dma_start3A_529] : memref<800x32xf32, #tpu.memory_space<vmem>> -> memref<72x32xf32, #tpu.memory_space<vmem>>
        %dma_start3A_531 = arith.constant 128 : i32
        %dma_start3A_532 = tpu.memref_slice %arg6[%dma_start3A_527, %dma_start3A_531] : memref<4x200xi32, #tpu.memory_space<vmem>> -> memref<1x72xi32, #tpu.memory_space<vmem>>
        %dma_start3A_533 = tpu.memref_squeeze %dma_start3A_532 : memref<1x72xi32, #tpu.memory_space<vmem>> -> memref<72xi32, #tpu.memory_space<vmem>>
        %dma_start3A_534 = arith.constant 0 : i32
        %dma_start3A_535 = arith.constant 0 : i32
        %dma_start3A_536 = tpu.memref_slice %arg3[%dma_start3A_534, %dma_start3A_535] : memref<1000000x32xf32, #tpu.memory_space<hbm>> -> memref<1000000x32xf32, #tpu.memory_space<hbm>>
        tpu.enqueue_indirect_dma source(%dma_start3A_536 : memref<1000000x32xf32, #tpu.memory_space<hbm>>) target(%dma_start3A_530 : memref<72x32xf32, #tpu.memory_space<vmem>>) offsets(%dma_start3A_533 : memref<72xi32, #tpu.memory_space<vmem>>) semaphore(%arg11 : memref<!tpu.dma_semaphore, #tpu.memory_space<semaphore_mem>>)
        %dma_start3A_537 = arith.constant 3 : i32
        %dma_start3A_538 = arith.constant 600 : i32
        %dma_start3A_539 = arith.constant 0 : i32
        %dma_start3A_540 = tpu.memref_slice %arg8[%dma_start3A_538, %dma_start3A_539] : memref<800x32xf32, #tpu.memory_space<vmem>> -> memref<128x32xf32, #tpu.memory_space<vmem>>
        %dma_start3A_541 = arith.constant 0 : i32
        %dma_start3A_542 = tpu.memref_slice %arg6[%dma_start3A_537, %dma_start3A_541] : memref<4x200xi32, #tpu.memory_space<vmem>> -> memref<1x128xi32, #tpu.memory_space<vmem>>
        %dma_start3A_543 = tpu.memref_squeeze %dma_start3A_542 : memref<1x128xi32, #tpu.memory_space<vmem>> -> memref<128xi32, #tpu.memory_space<vmem>>
        %dma_start3A_544 = arith.constant 0 : i32
        %dma_start3A_545 = arith.constant 0 : i32
        %dma_start3A_546 = tpu.memref_slice %arg3[%dma_start3A_544, %dma_start3A_545] : memref<1000000x32xf32, #tpu.memory_space<hbm>> -> memref<1000000x32xf32, #tpu.memory_space<hbm>>
        tpu.enqueue_indirect_dma source(%dma_start3A_546 : memref<1000000x32xf32, #tpu.memory_space<hbm>>) target(%dma_start3A_540 : memref<128x32xf32, #tpu.memory_space<vmem>>) offsets(%dma_start3A_543 : memref<128xi32, #tpu.memory_space<vmem>>) semaphore(%arg11 : memref<!tpu.dma_semaphore, #tpu.memory_space<semaphore_mem>>)
        %dma_start3A_547 = arith.constant 3 : i32
        %dma_start3A_548 = arith.constant 728 : i32
        %dma_start3A_549 = arith.constant 0 : i32
        %dma_start3A_550 = tpu.memref_slice %arg8[%dma_start3A_548, %dma_start3A_549] : memref<800x32xf32, #tpu.memory_space<vmem>> -> memref<72x32xf32, #tpu.memory_space<vmem>>
        %dma_start3A_551 = arith.constant 128 : i32
        %dma_start3A_552 = tpu.memref_slice %arg6[%dma_start3A_547, %dma_start3A_551] : memref<4x200xi32, #tpu.memory_space<vmem>> -> memref<1x72xi32, #tpu.memory_space<vmem>>
        %dma_start3A_553 = tpu.memref_squeeze %dma_start3A_552 : memref<1x72xi32, #tpu.memory_space<vmem>> -> memref<72xi32, #tpu.memory_space<vmem>>
        %dma_start3A_554 = arith.constant 0 : i32
        %dma_start3A_555 = arith.constant 0 : i32
        %dma_start3A_556 = tpu.memref_slice %arg3[%dma_start3A_554, %dma_start3A_555] : memref<1000000x32xf32, #tpu.memory_space<hbm>> -> memref<1000000x32xf32, #tpu.memory_space<hbm>>
        tpu.enqueue_indirect_dma source(%dma_start3A_556 : memref<1000000x32xf32, #tpu.memory_space<hbm>>) target(%dma_start3A_550 : memref<72x32xf32, #tpu.memory_space<vmem>>) offsets(%dma_start3A_553 : memref<72xi32, #tpu.memory_space<vmem>>) semaphore(%arg11 : memref<!tpu.dma_semaphore, #tpu.memory_space<semaphore_mem>>)
      } else {
      }
      %dma_wait3A_114 = arith.constant 0 : i32
      %dma_wait3A_115 = arith.constant 0 : i32
      %dma_wait3A_116 = arith.constant 0 : i32
      %dma_wait3A_117 = tpu.memref_slice %arg7[%dma_wait3A_115, %dma_wait3A_116] : memref<800x32xf32, #tpu.memory_space<vmem>> -> memref<128x32xf32, #tpu.memory_space<vmem>>
      %dma_wait3A_118 = arith.constant 0 : i32
      %dma_wait3A_119 = tpu.memref_slice %arg5[%dma_wait3A_114, %dma_wait3A_118] : memref<4x200xi32, #tpu.memory_space<vmem>> -> memref<1x128xi32, #tpu.memory_space<vmem>>
      %dma_wait3A_120 = tpu.memref_squeeze %dma_wait3A_119 : memref<1x128xi32, #tpu.memory_space<vmem>> -> memref<128xi32, #tpu.memory_space<vmem>>
      %dma_wait3A_121 = arith.constant 0 : i32
      %dma_wait3A_122 = arith.constant 0 : i32
      %dma_wait3A_123 = tpu.memref_slice %arg3[%dma_wait3A_121, %dma_wait3A_122] : memref<1000000x32xf32, #tpu.memory_space<hbm>> -> memref<1000000x32xf32, #tpu.memory_space<hbm>>
      tpu.wait_indirect_dma semaphore(%arg10 : memref<!tpu.dma_semaphore, #tpu.memory_space<semaphore_mem>>) src(%dma_wait3A_123 : memref<1000000x32xf32, #tpu.memory_space<hbm>>) dst(%dma_wait3A_117 : memref<128x32xf32, #tpu.memory_space<vmem>>)
      %dma_wait3A_124 = arith.constant 0 : i32
      %dma_wait3A_125 = arith.constant 128 : i32
      %dma_wait3A_126 = arith.constant 0 : i32
      %dma_wait3A_127 = tpu.memref_slice %arg7[%dma_wait3A_125, %dma_wait3A_126] : memref<800x32xf32, #tpu.memory_space<vmem>> -> memref<72x32xf32, #tpu.memory_space<vmem>>
      %dma_wait3A_128 = arith.constant 128 : i32
      %dma_wait3A_129 = tpu.memref_slice %arg5[%dma_wait3A_124, %dma_wait3A_128] : memref<4x200xi32, #tpu.memory_space<vmem>> -> memref<1x72xi32, #tpu.memory_space<vmem>>
      %dma_wait3A_130 = tpu.memref_squeeze %dma_wait3A_129 : memref<1x72xi32, #tpu.memory_space<vmem>> -> memref<72xi32, #tpu.memory_space<vmem>>
      %dma_wait3A_131 = arith.constant 0 : i32
      %dma_wait3A_132 = arith.constant 0 : i32
      %dma_wait3A_133 = tpu.memref_slice %arg3[%dma_wait3A_131, %dma_wait3A_132] : memref<1000000x32xf32, #tpu.memory_space<hbm>> -> memref<1000000x32xf32, #tpu.memory_space<hbm>>
      tpu.wait_indirect_dma semaphore(%arg10 : memref<!tpu.dma_semaphore, #tpu.memory_space<semaphore_mem>>) src(%dma_wait3A_133 : memref<1000000x32xf32, #tpu.memory_space<hbm>>) dst(%dma_wait3A_127 : memref<72x32xf32, #tpu.memory_space<vmem>>)
      %dma_wait3A_134 = arith.constant 1 : i32
      %dma_wait3A_135 = arith.constant 200 : i32
      %dma_wait3A_136 = arith.constant 0 : i32
      %dma_wait3A_137 = tpu.memref_slice %arg7[%dma_wait3A_135, %dma_wait3A_136] : memref<800x32xf32, #tpu.memory_space<vmem>> -> memref<128x32xf32, #tpu.memory_space<vmem>>
      %dma_wait3A_138 = arith.constant 0 : i32
      %dma_wait3A_139 = tpu.memref_slice %arg5[%dma_wait3A_134, %dma_wait3A_138] : memref<4x200xi32, #tpu.memory_space<vmem>> -> memref<1x128xi32, #tpu.memory_space<vmem>>
      %dma_wait3A_140 = tpu.memref_squeeze %dma_wait3A_139 : memref<1x128xi32, #tpu.memory_space<vmem>> -> memref<128xi32, #tpu.memory_space<vmem>>
      %dma_wait3A_141 = arith.constant 0 : i32
      %dma_wait3A_142 = arith.constant 0 : i32
      %dma_wait3A_143 = tpu.memref_slice %arg3[%dma_wait3A_141, %dma_wait3A_142] : memref<1000000x32xf32, #tpu.memory_space<hbm>> -> memref<1000000x32xf32, #tpu.memory_space<hbm>>
      tpu.wait_indirect_dma semaphore(%arg10 : memref<!tpu.dma_semaphore, #tpu.memory_space<semaphore_mem>>) src(%dma_wait3A_143 : memref<1000000x32xf32, #tpu.memory_space<hbm>>) dst(%dma_wait3A_137 : memref<128x32xf32, #tpu.memory_space<vmem>>)
      %dma_wait3A_144 = arith.constant 1 : i32
      %dma_wait3A_145 = arith.constant 328 : i32
      %dma_wait3A_146 = arith.constant 0 : i32
      %dma_wait3A_147 = tpu.memref_slice %arg7[%dma_wait3A_145, %dma_wait3A_146] : memref<800x32xf32, #tpu.memory_space<vmem>> -> memref<72x32xf32, #tpu.memory_space<vmem>>
      %dma_wait3A_148 = arith.constant 128 : i32
      %dma_wait3A_149 = tpu.memref_slice %arg5[%dma_wait3A_144, %dma_wait3A_148] : memref<4x200xi32, #tpu.memory_space<vmem>> -> memref<1x72xi32, #tpu.memory_space<vmem>>
      %dma_wait3A_150 = tpu.memref_squeeze %dma_wait3A_149 : memref<1x72xi32, #tpu.memory_space<vmem>> -> memref<72xi32, #tpu.memory_space<vmem>>
      %dma_wait3A_151 = arith.constant 0 : i32
      %dma_wait3A_152 = arith.constant 0 : i32
      %dma_wait3A_153 = tpu.memref_slice %arg3[%dma_wait3A_151, %dma_wait3A_152] : memref<1000000x32xf32, #tpu.memory_space<hbm>> -> memref<1000000x32xf32, #tpu.memory_space<hbm>>
      tpu.wait_indirect_dma semaphore(%arg10 : memref<!tpu.dma_semaphore, #tpu.memory_space<semaphore_mem>>) src(%dma_wait3A_153 : memref<1000000x32xf32, #tpu.memory_space<hbm>>) dst(%dma_wait3A_147 : memref<72x32xf32, #tpu.memory_space<vmem>>)
      %dma_wait3A_154 = arith.constant 2 : i32
      %dma_wait3A_155 = arith.constant 400 : i32
      %dma_wait3A_156 = arith.constant 0 : i32
      %dma_wait3A_157 = tpu.memref_slice %arg7[%dma_wait3A_155, %dma_wait3A_156] : memref<800x32xf32, #tpu.memory_space<vmem>> -> memref<128x32xf32, #tpu.memory_space<vmem>>
      %dma_wait3A_158 = arith.constant 0 : i32
      %dma_wait3A_159 = tpu.memref_slice %arg5[%dma_wait3A_154, %dma_wait3A_158] : memref<4x200xi32, #tpu.memory_space<vmem>> -> memref<1x128xi32, #tpu.memory_space<vmem>>
      %dma_wait3A_160 = tpu.memref_squeeze %dma_wait3A_159 : memref<1x128xi32, #tpu.memory_space<vmem>> -> memref<128xi32, #tpu.memory_space<vmem>>
      %dma_wait3A_161 = arith.constant 0 : i32
      %dma_wait3A_162 = arith.constant 0 : i32
      %dma_wait3A_163 = tpu.memref_slice %arg3[%dma_wait3A_161, %dma_wait3A_162] : memref<1000000x32xf32, #tpu.memory_space<hbm>> -> memref<1000000x32xf32, #tpu.memory_space<hbm>>
      tpu.wait_indirect_dma semaphore(%arg10 : memref<!tpu.dma_semaphore, #tpu.memory_space<semaphore_mem>>) src(%dma_wait3A_163 : memref<1000000x32xf32, #tpu.memory_space<hbm>>) dst(%dma_wait3A_157 : memref<128x32xf32, #tpu.memory_space<vmem>>)
      %dma_wait3A_164 = arith.constant 2 : i32
      %dma_wait3A_165 = arith.constant 528 : i32
      %dma_wait3A_166 = arith.constant 0 : i32
      %dma_wait3A_167 = tpu.memref_slice %arg7[%dma_wait3A_165, %dma_wait3A_166] : memref<800x32xf32, #tpu.memory_space<vmem>> -> memref<72x32xf32, #tpu.memory_space<vmem>>
      %dma_wait3A_168 = arith.constant 128 : i32
      %dma_wait3A_169 = tpu.memref_slice %arg5[%dma_wait3A_164, %dma_wait3A_168] : memref<4x200xi32, #tpu.memory_space<vmem>> -> memref<1x72xi32, #tpu.memory_space<vmem>>
      %dma_wait3A_170 = tpu.memref_squeeze %dma_wait3A_169 : memref<1x72xi32, #tpu.memory_space<vmem>> -> memref<72xi32, #tpu.memory_space<vmem>>
      %dma_wait3A_171 = arith.constant 0 : i32
      %dma_wait3A_172 = arith.constant 0 : i32
      %dma_wait3A_173 = tpu.memref_slice %arg3[%dma_wait3A_171, %dma_wait3A_172] : memref<1000000x32xf32, #tpu.memory_space<hbm>> -> memref<1000000x32xf32, #tpu.memory_space<hbm>>
      tpu.wait_indirect_dma semaphore(%arg10 : memref<!tpu.dma_semaphore, #tpu.memory_space<semaphore_mem>>) src(%dma_wait3A_173 : memref<1000000x32xf32, #tpu.memory_space<hbm>>) dst(%dma_wait3A_167 : memref<72x32xf32, #tpu.memory_space<vmem>>)
      %dma_wait3A_174 = arith.constant 3 : i32
      %dma_wait3A_175 = arith.constant 600 : i32
      %dma_wait3A_176 = arith.constant 0 : i32
      %dma_wait3A_177 = tpu.memref_slice %arg7[%dma_wait3A_175, %dma_wait3A_176] : memref<800x32xf32, #tpu.memory_space<vmem>> -> memref<128x32xf32, #tpu.memory_space<vmem>>
      %dma_wait3A_178 = arith.constant 0 : i32
      %dma_wait3A_179 = tpu.memref_slice %arg5[%dma_wait3A_174, %dma_wait3A_178] : memref<4x200xi32, #tpu.memory_space<vmem>> -> memref<1x128xi32, #tpu.memory_space<vmem>>
      %dma_wait3A_180 = tpu.memref_squeeze %dma_wait3A_179 : memref<1x128xi32, #tpu.memory_space<vmem>> -> memref<128xi32, #tpu.memory_space<vmem>>
      %dma_wait3A_181 = arith.constant 0 : i32
      %dma_wait3A_182 = arith.constant 0 : i32
      %dma_wait3A_183 = tpu.memref_slice %arg3[%dma_wait3A_181, %dma_wait3A_182] : memref<1000000x32xf32, #tpu.memory_space<hbm>> -> memref<1000000x32xf32, #tpu.memory_space<hbm>>
      tpu.wait_indirect_dma semaphore(%arg10 : memref<!tpu.dma_semaphore, #tpu.memory_space<semaphore_mem>>) src(%dma_wait3A_183 : memref<1000000x32xf32, #tpu.memory_space<hbm>>) dst(%dma_wait3A_177 : memref<128x32xf32, #tpu.memory_space<vmem>>)
      %dma_wait3A_184 = arith.constant 3 : i32
      %dma_wait3A_185 = arith.constant 728 : i32
      %dma_wait3A_186 = arith.constant 0 : i32
      %dma_wait3A_187 = tpu.memref_slice %arg7[%dma_wait3A_185, %dma_wait3A_186] : memref<800x32xf32, #tpu.memory_space<vmem>> -> memref<72x32xf32, #tpu.memory_space<vmem>>
      %dma_wait3A_188 = arith.constant 128 : i32
      %dma_wait3A_189 = tpu.memref_slice %arg5[%dma_wait3A_184, %dma_wait3A_188] : memref<4x200xi32, #tpu.memory_space<vmem>> -> memref<1x72xi32, #tpu.memory_space<vmem>>
      %dma_wait3A_190 = tpu.memref_squeeze %dma_wait3A_189 : memref<1x72xi32, #tpu.memory_space<vmem>> -> memref<72xi32, #tpu.memory_space<vmem>>
      %dma_wait3A_191 = arith.constant 0 : i32
      %dma_wait3A_192 = arith.constant 0 : i32
      %dma_wait3A_193 = tpu.memref_slice %arg3[%dma_wait3A_191, %dma_wait3A_192] : memref<1000000x32xf32, #tpu.memory_space<hbm>> -> memref<1000000x32xf32, #tpu.memory_space<hbm>>
      tpu.wait_indirect_dma semaphore(%arg10 : memref<!tpu.dma_semaphore, #tpu.memory_space<semaphore_mem>>) src(%dma_wait3A_193 : memref<1000000x32xf32, #tpu.memory_space<hbm>>) dst(%dma_wait3A_187 : memref<72x32xf32, #tpu.memory_space<vmem>>)
      %add3A_194 = arith.constant 2 : i32
      %add3A_195 = arith.addi %add3A_109, %add3A_194 : i32
      %lt3A_196 = arith.constant 128 : i32
      %lt3A_197 = arith.cmpi slt, %add3A_195, %lt3A_196 : i32
      %convert_element_type3A_198 = arith.extui %lt3A_197 : i1 to i32
      %cond3A_199 = arith.constant 0 : i32
      %cond3A_200 = arith.cmpi ne, %convert_element_type3A_198, %cond3A_199 : i32
      scf.if %cond3A_200 {
        %add3A_473 = arith.constant 2 : i32
        %add3A_474 = arith.addi %add3A_109, %add3A_473 : i32
        %mul3A_475 = arith.constant 4 : i32
        %mul3A_476 = arith.muli %add3A_474, %mul3A_475 : i32
        %add3A_477 = arith.addi %mul3A_2, %mul3A_476 : i32
        %dma_start3A_478 = arith.constant 0 : i32
        %dma_start3A_479 = tpu.memref_slice %arg2[%add3A_477, %dma_start3A_478] : memref<16384x200xi32, #tpu.memory_space<hbm>> -> memref<4x200xi32, #tpu.memory_space<hbm>>
        %dma_start3A_480 = arith.constant 0 : i32
        %dma_start3A_481 = tpu.memref_slice %arg2[%add3A_477, %dma_start3A_480] : memref<16384x200xi32, #tpu.memory_space<hbm>> -> memref<4x200xi32, #tpu.memory_space<hbm>>
        tpu.enqueue_dma source(%dma_start3A_481 : memref<4x200xi32, #tpu.memory_space<hbm>>) target(%arg5 : memref<4x200xi32, #tpu.memory_space<vmem>>) target_semaphore(%arg12 : memref<!tpu.dma_semaphore, #tpu.memory_space<semaphore_mem>>)
      } else {
      }
      %broadcast_in_dim3A = arith.constant 0.000000e+00 : f32
      %broadcast_in_dim3A_201 = vector.broadcast %broadcast_in_dim3A : f32 to vector<16xf32>
      %scan3A_202 = arith.constant 0 : i32
      %scan3A_203 = arith.constant 200 : i32
      %scan3A_204 = arith.addi %scan3A_202, %scan3A_203 : i32
      %scan3A_205 = arith.constant 8 : i32
      %scan3A_206:2 = scf.for %scan3A_473 = %scan3A_202 to %scan3A_204 step %scan3A_205 iter_args(%scan3A_474 = %broadcast_in_dim3A_201, %scan3A_475 = %broadcast_in_dim3A_201) -> (vector<16xf32>, vector<16xf32>)  : i32 {
        %add3A_476 = arith.constant 0 : i32
        %add3A_477 = arith.addi %add3A_476, %scan3A_473 : i32
        %get3A = arith.index_cast %add3A_477 : i32 to index
        %get3A_478 = arith.constant 0 : index
        %get3A_479 = tpu.vector_load %arg7[%get3A, %get3A_478] {strides = array<i32>} : memref<800x32xf32, #tpu.memory_space<vmem>>, vector<1x16xf32>,
        %get3A_480 = vector.shape_cast %get3A_479 : vector<1x16xf32> to vector<16xf32>
        %add3A_481 = arith.addf %scan3A_474, %get3A_480 : vector<16xf32>
        %get3A_482 = arith.index_cast %add3A_477 : i32 to index
        %get3A_483 = arith.constant 16 : index
        %get3A_484 = tpu.vector_load %arg7[%get3A_482, %get3A_483] {strides = array<i32>} : memref<800x32xf32, #tpu.memory_space<vmem>>, vector<1x16xf32>,
        %get3A_485 = vector.shape_cast %get3A_484 : vector<1x16xf32> to vector<16xf32>
        %add3A_486 = arith.addf %scan3A_475, %get3A_485 : vector<16xf32>
        %scan3A_487 = arith.constant 1 : i32
        %scan3A_488 = arith.addi %scan3A_473, %scan3A_487 : i32
        %add3A_489 = arith.constant 0 : i32
        %add3A_490 = arith.addi %add3A_489, %scan3A_488 : i32
        %get3A_491 = arith.index_cast %add3A_490 : i32 to index
        %get3A_492 = arith.constant 0 : index
        %get3A_493 = tpu.vector_load %arg7[%get3A_491, %get3A_492] {strides = array<i32>} : memref<800x32xf32, #tpu.memory_space<vmem>>, vector<1x16xf32>,
        %get3A_494 = vector.shape_cast %get3A_493 : vector<1x16xf32> to vector<16xf32>
        %add3A_495 = arith.addf %add3A_481, %get3A_494 : vector<16xf32>
        %get3A_496 = arith.index_cast %add3A_490 : i32 to index
        %get3A_497 = arith.constant 16 : index
        %get3A_498 = tpu.vector_load %arg7[%get3A_496, %get3A_497] {strides = array<i32>} : memref<800x32xf32, #tpu.memory_space<vmem>>, vector<1x16xf32>,
        %get3A_499 = vector.shape_cast %get3A_498 : vector<1x16xf32> to vector<16xf32>
        %add3A_500 = arith.addf %add3A_486, %get3A_499 : vector<16xf32>
        %scan3A_501 = arith.constant 2 : i32
        %scan3A_502 = arith.addi %scan3A_473, %scan3A_501 : i32
        %add3A_503 = arith.constant 0 : i32
        %add3A_504 = arith.addi %add3A_503, %scan3A_502 : i32
        %get3A_505 = arith.index_cast %add3A_504 : i32 to index
        %get3A_506 = arith.constant 0 : index
        %get3A_507 = tpu.vector_load %arg7[%get3A_505, %get3A_506] {strides = array<i32>} : memref<800x32xf32, #tpu.memory_space<vmem>>, vector<1x16xf32>,
        %get3A_508 = vector.shape_cast %get3A_507 : vector<1x16xf32> to vector<16xf32>
        %add3A_509 = arith.addf %add3A_495, %get3A_508 : vector<16xf32>
        %get3A_510 = arith.index_cast %add3A_504 : i32 to index
        %get3A_511 = arith.constant 16 : index
        %get3A_512 = tpu.vector_load %arg7[%get3A_510, %get3A_511] {strides = array<i32>} : memref<800x32xf32, #tpu.memory_space<vmem>>, vector<1x16xf32>,
        %get3A_513 = vector.shape_cast %get3A_512 : vector<1x16xf32> to vector<16xf32>
        %add3A_514 = arith.addf %add3A_500, %get3A_513 : vector<16xf32>
        %scan3A_515 = arith.constant 3 : i32
        %scan3A_516 = arith.addi %scan3A_473, %scan3A_515 : i32
        %add3A_517 = arith.constant 0 : i32
        %add3A_518 = arith.addi %add3A_517, %scan3A_516 : i32
        %get3A_519 = arith.index_cast %add3A_518 : i32 to index
        %get3A_520 = arith.constant 0 : index
        %get3A_521 = tpu.vector_load %arg7[%get3A_519, %get3A_520] {strides = array<i32>} : memref<800x32xf32, #tpu.memory_space<vmem>>, vector<1x16xf32>,
        %get3A_522 = vector.shape_cast %get3A_521 : vector<1x16xf32> to vector<16xf32>
        %add3A_523 = arith.addf %add3A_509, %get3A_522 : vector<16xf32>
        %get3A_524 = arith.index_cast %add3A_518 : i32 to index
        %get3A_525 = arith.constant 16 : index
        %get3A_526 = tpu.vector_load %arg7[%get3A_524, %get3A_525] {strides = array<i32>} : memref<800x32xf32, #tpu.memory_space<vmem>>, vector<1x16xf32>,
        %get3A_527 = vector.shape_cast %get3A_526 : vector<1x16xf32> to vector<16xf32>
        %add3A_528 = arith.addf %add3A_514, %get3A_527 : vector<16xf32>
        %scan3A_529 = arith.constant 4 : i32
        %scan3A_530 = arith.addi %scan3A_473, %scan3A_529 : i32
        %add3A_531 = arith.constant 0 : i32
        %add3A_532 = arith.addi %add3A_531, %scan3A_530 : i32
        %get3A_533 = arith.index_cast %add3A_532 : i32 to index
        %get3A_534 = arith.constant 0 : index
        %get3A_535 = tpu.vector_load %arg7[%get3A_533, %get3A_534] {strides = array<i32>} : memref<800x32xf32, #tpu.memory_space<vmem>>, vector<1x16xf32>,
        %get3A_536 = vector.shape_cast %get3A_535 : vector<1x16xf32> to vector<16xf32>
        %add3A_537 = arith.addf %add3A_523, %get3A_536 : vector<16xf32>
        %get3A_538 = arith.index_cast %add3A_532 : i32 to index
        %get3A_539 = arith.constant 16 : index
        %get3A_540 = tpu.vector_load %arg7[%get3A_538, %get3A_539] {strides = array<i32>} : memref<800x32xf32, #tpu.memory_space<vmem>>, vector<1x16xf32>,
        %get3A_541 = vector.shape_cast %get3A_540 : vector<1x16xf32> to vector<16xf32>
        %add3A_542 = arith.addf %add3A_528, %get3A_541 : vector<16xf32>
        %scan3A_543 = arith.constant 5 : i32
        %scan3A_544 = arith.addi %scan3A_473, %scan3A_543 : i32
        %add3A_545 = arith.constant 0 : i32
        %add3A_546 = arith.addi %add3A_545, %scan3A_544 : i32
        %get3A_547 = arith.index_cast %add3A_546 : i32 to index
        %get3A_548 = arith.constant 0 : index
        %get3A_549 = tpu.vector_load %arg7[%get3A_547, %get3A_548] {strides = array<i32>} : memref<800x32xf32, #tpu.memory_space<vmem>>, vector<1x16xf32>,
        %get3A_550 = vector.shape_cast %get3A_549 : vector<1x16xf32> to vector<16xf32>
        %add3A_551 = arith.addf %add3A_537, %get3A_550 : vector<16xf32>
        %get3A_552 = arith.index_cast %add3A_546 : i32 to index
        %get3A_553 = arith.constant 16 : index
        %get3A_554 = tpu.vector_load %arg7[%get3A_552, %get3A_553] {strides = array<i32>} : memref<800x32xf32, #tpu.memory_space<vmem>>, vector<1x16xf32>,
        %get3A_555 = vector.shape_cast %get3A_554 : vector<1x16xf32> to vector<16xf32>
        %add3A_556 = arith.addf %add3A_542, %get3A_555 : vector<16xf32>
        %scan3A_557 = arith.constant 6 : i32
        %scan3A_558 = arith.addi %scan3A_473, %scan3A_557 : i32
        %add3A_559 = arith.constant 0 : i32
        %add3A_560 = arith.addi %add3A_559, %scan3A_558 : i32
        %get3A_561 = arith.index_cast %add3A_560 : i32 to index
        %get3A_562 = arith.constant 0 : index
        %get3A_563 = tpu.vector_load %arg7[%get3A_561, %get3A_562] {strides = array<i32>} : memref<800x32xf32, #tpu.memory_space<vmem>>, vector<1x16xf32>,
        %get3A_564 = vector.shape_cast %get3A_563 : vector<1x16xf32> to vector<16xf32>
        %add3A_565 = arith.addf %add3A_551, %get3A_564 : vector<16xf32>
        %get3A_566 = arith.index_cast %add3A_560 : i32 to index
        %get3A_567 = arith.constant 16 : index
        %get3A_568 = tpu.vector_load %arg7[%get3A_566, %get3A_567] {strides = array<i32>} : memref<800x32xf32, #tpu.memory_space<vmem>>, vector<1x16xf32>,
        %get3A_569 = vector.shape_cast %get3A_568 : vector<1x16xf32> to vector<16xf32>
        %add3A_570 = arith.addf %add3A_556, %get3A_569 : vector<16xf32>
        %scan3A_571 = arith.constant 7 : i32
        %scan3A_572 = arith.addi %scan3A_473, %scan3A_571 : i32
        %add3A_573 = arith.constant 0 : i32
        %add3A_574 = arith.addi %add3A_573, %scan3A_572 : i32
        %get3A_575 = arith.index_cast %add3A_574 : i32 to index
        %get3A_576 = arith.constant 0 : index
        %get3A_577 = tpu.vector_load %arg7[%get3A_575, %get3A_576] {strides = array<i32>} : memref<800x32xf32, #tpu.memory_space<vmem>>, vector<1x16xf32>,
        %get3A_578 = vector.shape_cast %get3A_577 : vector<1x16xf32> to vector<16xf32>
        %add3A_579 = arith.addf %add3A_565, %get3A_578 : vector<16xf32>
        %get3A_580 = arith.index_cast %add3A_574 : i32 to index
        %get3A_581 = arith.constant 16 : index
        %get3A_582 = tpu.vector_load %arg7[%get3A_580, %get3A_581] {strides = array<i32>} : memref<800x32xf32, #tpu.memory_space<vmem>>, vector<1x16xf32>,
        %get3A_583 = vector.shape_cast %get3A_582 : vector<1x16xf32> to vector<16xf32>
        %add3A_584 = arith.addf %add3A_570, %get3A_583 : vector<16xf32>
        scf.yield %add3A_579, %add3A_584 : vector<16xf32>, vector<16xf32>
      }
      %scan3A_207 = arith.constant 200 : i32
      %mul3A_208 = arith.constant 4 : i32
      %mul3A_209 = arith.muli %add3A_109, %mul3A_208 : i32
      %add3A_210 = arith.constant 0 : i32
      %add3A_211 = arith.addi %mul3A_209, %add3A_210 : i32
      %swap3A = arith.index_cast %add3A_211 : i32 to index
      %swap3A_212 = arith.constant 0 : index
      %swap3A_213 = tpu.vector_load %arg9[%swap3A, %swap3A_212] {strides = array<i32>} : memref<512x32xf32, #tpu.memory_space<vmem>>, vector<1x16xf32>,
      %swap3A_214 = vector.shape_cast %swap3A_213 : vector<1x16xf32> to vector<16xf32>
      %swap3A_215 = vector.shape_cast %scan3A_206#0 : vector<16xf32> to vector<1x16xf32>
      tpu.vector_store %arg9[%swap3A, %swap3A_212], %swap3A_215 {strides = array<i32>} : memref<512x32xf32, #tpu.memory_space<vmem>>, vector<1x16xf32>,
      %swap3A_216 = arith.index_cast %add3A_211 : i32 to index
      %swap3A_217 = arith.constant 16 : index
      %swap3A_218 = tpu.vector_load %arg9[%swap3A_216, %swap3A_217] {strides = array<i32>} : memref<512x32xf32, #tpu.memory_space<vmem>>, vector<1x16xf32>,
      %swap3A_219 = vector.shape_cast %swap3A_218 : vector<1x16xf32> to vector<16xf32>
      %swap3A_220 = vector.shape_cast %scan3A_206#1 : vector<16xf32> to vector<1x16xf32>
      tpu.vector_store %arg9[%swap3A_216, %swap3A_217], %swap3A_220 {strides = array<i32>} : memref<512x32xf32, #tpu.memory_space<vmem>>, vector<1x16xf32>,
      %broadcast_in_dim3A_221 = arith.constant 0.000000e+00 : f32
      %broadcast_in_dim3A_222 = vector.broadcast %broadcast_in_dim3A_221 : f32 to vector<16xf32>
      %scan3A_223 = arith.constant 0 : i32
      %scan3A_224 = arith.constant 200 : i32
      %scan3A_225 = arith.addi %scan3A_223, %scan3A_224 : i32
      %scan3A_226 = arith.constant 8 : i32
      %scan3A_227:2 = scf.for %scan3A_473 = %scan3A_223 to %scan3A_225 step %scan3A_226 iter_args(%scan3A_474 = %broadcast_in_dim3A_222, %scan3A_475 = %broadcast_in_dim3A_222) -> (vector<16xf32>, vector<16xf32>)  : i32 {
        %add3A_476 = arith.constant 200 : i32
        %add3A_477 = arith.addi %add3A_476, %scan3A_473 : i32
        %get3A = arith.index_cast %add3A_477 : i32 to index
        %get3A_478 = arith.constant 0 : index
        %get3A_479 = tpu.vector_load %arg7[%get3A, %get3A_478] {strides = array<i32>} : memref<800x32xf32, #tpu.memory_space<vmem>>, vector<1x16xf32>,
        %get3A_480 = vector.shape_cast %get3A_479 : vector<1x16xf32> to vector<16xf32>
        %add3A_481 = arith.addf %scan3A_474, %get3A_480 : vector<16xf32>
        %get3A_482 = arith.index_cast %add3A_477 : i32 to index
        %get3A_483 = arith.constant 16 : index
        %get3A_484 = tpu.vector_load %arg7[%get3A_482, %get3A_483] {strides = array<i32>} : memref<800x32xf32, #tpu.memory_space<vmem>>, vector<1x16xf32>,
        %get3A_485 = vector.shape_cast %get3A_484 : vector<1x16xf32> to vector<16xf32>
        %add3A_486 = arith.addf %scan3A_475, %get3A_485 : vector<16xf32>
        %scan3A_487 = arith.constant 1 : i32
        %scan3A_488 = arith.addi %scan3A_473, %scan3A_487 : i32
        %add3A_489 = arith.constant 200 : i32
        %add3A_490 = arith.addi %add3A_489, %scan3A_488 : i32
        %get3A_491 = arith.index_cast %add3A_490 : i32 to index
        %get3A_492 = arith.constant 0 : index
        %get3A_493 = tpu.vector_load %arg7[%get3A_491, %get3A_492] {strides = array<i32>} : memref<800x32xf32, #tpu.memory_space<vmem>>, vector<1x16xf32>,
        %get3A_494 = vector.shape_cast %get3A_493 : vector<1x16xf32> to vector<16xf32>
        %add3A_495 = arith.addf %add3A_481, %get3A_494 : vector<16xf32>
        %get3A_496 = arith.index_cast %add3A_490 : i32 to index
        %get3A_497 = arith.constant 16 : index
        %get3A_498 = tpu.vector_load %arg7[%get3A_496, %get3A_497] {strides = array<i32>} : memref<800x32xf32, #tpu.memory_space<vmem>>, vector<1x16xf32>,
        %get3A_499 = vector.shape_cast %get3A_498 : vector<1x16xf32> to vector<16xf32>
        %add3A_500 = arith.addf %add3A_486, %get3A_499 : vector<16xf32>
        %scan3A_501 = arith.constant 2 : i32
        %scan3A_502 = arith.addi %scan3A_473, %scan3A_501 : i32
        %add3A_503 = arith.constant 200 : i32
        %add3A_504 = arith.addi %add3A_503, %scan3A_502 : i32
        %get3A_505 = arith.index_cast %add3A_504 : i32 to index
        %get3A_506 = arith.constant 0 : index
        %get3A_507 = tpu.vector_load %arg7[%get3A_505, %get3A_506] {strides = array<i32>} : memref<800x32xf32, #tpu.memory_space<vmem>>, vector<1x16xf32>,
        %get3A_508 = vector.shape_cast %get3A_507 : vector<1x16xf32> to vector<16xf32>
        %add3A_509 = arith.addf %add3A_495, %get3A_508 : vector<16xf32>
        %get3A_510 = arith.index_cast %add3A_504 : i32 to index
        %get3A_511 = arith.constant 16 : index
        %get3A_512 = tpu.vector_load %arg7[%get3A_510, %get3A_511] {strides = array<i32>} : memref<800x32xf32, #tpu.memory_space<vmem>>, vector<1x16xf32>,
        %get3A_513 = vector.shape_cast %get3A_512 : vector<1x16xf32> to vector<16xf32>
        %add3A_514 = arith.addf %add3A_500, %get3A_513 : vector<16xf32>
        %scan3A_515 = arith.constant 3 : i32
        %scan3A_516 = arith.addi %scan3A_473, %scan3A_515 : i32
        %add3A_517 = arith.constant 200 : i32
        %add3A_518 = arith.addi %add3A_517, %scan3A_516 : i32
        %get3A_519 = arith.index_cast %add3A_518 : i32 to index
        %get3A_520 = arith.constant 0 : index
        %get3A_521 = tpu.vector_load %arg7[%get3A_519, %get3A_520] {strides = array<i32>} : memref<800x32xf32, #tpu.memory_space<vmem>>, vector<1x16xf32>,
        %get3A_522 = vector.shape_cast %get3A_521 : vector<1x16xf32> to vector<16xf32>
        %add3A_523 = arith.addf %add3A_509, %get3A_522 : vector<16xf32>
        %get3A_524 = arith.index_cast %add3A_518 : i32 to index
        %get3A_525 = arith.constant 16 : index
        %get3A_526 = tpu.vector_load %arg7[%get3A_524, %get3A_525] {strides = array<i32>} : memref<800x32xf32, #tpu.memory_space<vmem>>, vector<1x16xf32>,
        %get3A_527 = vector.shape_cast %get3A_526 : vector<1x16xf32> to vector<16xf32>
        %add3A_528 = arith.addf %add3A_514, %get3A_527 : vector<16xf32>
        %scan3A_529 = arith.constant 4 : i32
        %scan3A_530 = arith.addi %scan3A_473, %scan3A_529 : i32
        %add3A_531 = arith.constant 200 : i32
        %add3A_532 = arith.addi %add3A_531, %scan3A_530 : i32
        %get3A_533 = arith.index_cast %add3A_532 : i32 to index
        %get3A_534 = arith.constant 0 : index
        %get3A_535 = tpu.vector_load %arg7[%get3A_533, %get3A_534] {strides = array<i32>} : memref<800x32xf32, #tpu.memory_space<vmem>>, vector<1x16xf32>,
        %get3A_536 = vector.shape_cast %get3A_535 : vector<1x16xf32> to vector<16xf32>
        %add3A_537 = arith.addf %add3A_523, %get3A_536 : vector<16xf32>
        %get3A_538 = arith.index_cast %add3A_532 : i32 to index
        %get3A_539 = arith.constant 16 : index
        %get3A_540 = tpu.vector_load %arg7[%get3A_538, %get3A_539] {strides = array<i32>} : memref<800x32xf32, #tpu.memory_space<vmem>>, vector<1x16xf32>,
        %get3A_541 = vector.shape_cast %get3A_540 : vector<1x16xf32> to vector<16xf32>
        %add3A_542 = arith.addf %add3A_528, %get3A_541 : vector<16xf32>
        %scan3A_543 = arith.constant 5 : i32
        %scan3A_544 = arith.addi %scan3A_473, %scan3A_543 : i32
        %add3A_545 = arith.constant 200 : i32
        %add3A_546 = arith.addi %add3A_545, %scan3A_544 : i32
        %get3A_547 = arith.index_cast %add3A_546 : i32 to index
        %get3A_548 = arith.constant 0 : index
        %get3A_549 = tpu.vector_load %arg7[%get3A_547, %get3A_548] {strides = array<i32>} : memref<800x32xf32, #tpu.memory_space<vmem>>, vector<1x16xf32>,
        %get3A_550 = vector.shape_cast %get3A_549 : vector<1x16xf32> to vector<16xf32>
        %add3A_551 = arith.addf %add3A_537, %get3A_550 : vector<16xf32>
        %get3A_552 = arith.index_cast %add3A_546 : i32 to index
        %get3A_553 = arith.constant 16 : index
        %get3A_554 = tpu.vector_load %arg7[%get3A_552, %get3A_553] {strides = array<i32>} : memref<800x32xf32, #tpu.memory_space<vmem>>, vector<1x16xf32>,
        %get3A_555 = vector.shape_cast %get3A_554 : vector<1x16xf32> to vector<16xf32>
        %add3A_556 = arith.addf %add3A_542, %get3A_555 : vector<16xf32>
        %scan3A_557 = arith.constant 6 : i32
        %scan3A_558 = arith.addi %scan3A_473, %scan3A_557 : i32
        %add3A_559 = arith.constant 200 : i32
        %add3A_560 = arith.addi %add3A_559, %scan3A_558 : i32
        %get3A_561 = arith.index_cast %add3A_560 : i32 to index
        %get3A_562 = arith.constant 0 : index
        %get3A_563 = tpu.vector_load %arg7[%get3A_561, %get3A_562] {strides = array<i32>} : memref<800x32xf32, #tpu.memory_space<vmem>>, vector<1x16xf32>,
        %get3A_564 = vector.shape_cast %get3A_563 : vector<1x16xf32> to vector<16xf32>
        %add3A_565 = arith.addf %add3A_551, %get3A_564 : vector<16xf32>
        %get3A_566 = arith.index_cast %add3A_560 : i32 to index
        %get3A_567 = arith.constant 16 : index
        %get3A_568 = tpu.vector_load %arg7[%get3A_566, %get3A_567] {strides = array<i32>} : memref<800x32xf32, #tpu.memory_space<vmem>>, vector<1x16xf32>,
        %get3A_569 = vector.shape_cast %get3A_568 : vector<1x16xf32> to vector<16xf32>
        %add3A_570 = arith.addf %add3A_556, %get3A_569 : vector<16xf32>
        %scan3A_571 = arith.constant 7 : i32
        %scan3A_572 = arith.addi %scan3A_473, %scan3A_571 : i32
        %add3A_573 = arith.constant 200 : i32
        %add3A_574 = arith.addi %add3A_573, %scan3A_572 : i32
        %get3A_575 = arith.index_cast %add3A_574 : i32 to index
        %get3A_576 = arith.constant 0 : index
        %get3A_577 = tpu.vector_load %arg7[%get3A_575, %get3A_576] {strides = array<i32>} : memref<800x32xf32, #tpu.memory_space<vmem>>, vector<1x16xf32>,
        %get3A_578 = vector.shape_cast %get3A_577 : vector<1x16xf32> to vector<16xf32>
        %add3A_579 = arith.addf %add3A_565, %get3A_578 : vector<16xf32>
        %get3A_580 = arith.index_cast %add3A_574 : i32 to index
        %get3A_581 = arith.constant 16 : index
        %get3A_582 = tpu.vector_load %arg7[%get3A_580, %get3A_581] {strides = array<i32>} : memref<800x32xf32, #tpu.memory_space<vmem>>, vector<1x16xf32>,
        %get3A_583 = vector.shape_cast %get3A_582 : vector<1x16xf32> to vector<16xf32>
        %add3A_584 = arith.addf %add3A_570, %get3A_583 : vector<16xf32>
        scf.yield %add3A_579, %add3A_584 : vector<16xf32>, vector<16xf32>
      }
      %scan3A_228 = arith.constant 200 : i32
      %mul3A_229 = arith.constant 4 : i32
      %mul3A_230 = arith.muli %add3A_109, %mul3A_229 : i32
      %add3A_231 = arith.constant 1 : i32
      %add3A_232 = arith.addi %mul3A_230, %add3A_231 : i32
      %swap3A_233 = arith.index_cast %add3A_232 : i32 to index
      %swap3A_234 = arith.constant 0 : index
      %swap3A_235 = tpu.vector_load %arg9[%swap3A_233, %swap3A_234] {strides = array<i32>} : memref<512x32xf32, #tpu.memory_space<vmem>>, vector<1x16xf32>,
      %swap3A_236 = vector.shape_cast %swap3A_235 : vector<1x16xf32> to vector<16xf32>
      %swap3A_237 = vector.shape_cast %scan3A_227#0 : vector<16xf32> to vector<1x16xf32>
      tpu.vector_store %arg9[%swap3A_233, %swap3A_234], %swap3A_237 {strides = array<i32>} : memref<512x32xf32, #tpu.memory_space<vmem>>, vector<1x16xf32>,
      %swap3A_238 = arith.index_cast %add3A_232 : i32 to index
      %swap3A_239 = arith.constant 16 : index
      %swap3A_240 = tpu.vector_load %arg9[%swap3A_238, %swap3A_239] {strides = array<i32>} : memref<512x32xf32, #tpu.memory_space<vmem>>, vector<1x16xf32>,
      %swap3A_241 = vector.shape_cast %swap3A_240 : vector<1x16xf32> to vector<16xf32>
      %swap3A_242 = vector.shape_cast %scan3A_227#1 : vector<16xf32> to vector<1x16xf32>
      tpu.vector_store %arg9[%swap3A_238, %swap3A_239], %swap3A_242 {strides = array<i32>} : memref<512x32xf32, #tpu.memory_space<vmem>>, vector<1x16xf32>,
      %broadcast_in_dim3A_243 = arith.constant 0.000000e+00 : f32
      %broadcast_in_dim3A_244 = vector.broadcast %broadcast_in_dim3A_243 : f32 to vector<16xf32>
      %scan3A_245 = arith.constant 0 : i32
      %scan3A_246 = arith.constant 200 : i32
      %scan3A_247 = arith.addi %scan3A_245, %scan3A_246 : i32
      %scan3A_248 = arith.constant 8 : i32
      %scan3A_249:2 = scf.for %scan3A_473 = %scan3A_245 to %scan3A_247 step %scan3A_248 iter_args(%scan3A_474 = %broadcast_in_dim3A_244, %scan3A_475 = %broadcast_in_dim3A_244) -> (vector<16xf32>, vector<16xf32>)  : i32 {
        %add3A_476 = arith.constant 400 : i32
        %add3A_477 = arith.addi %add3A_476, %scan3A_473 : i32
        %get3A = arith.index_cast %add3A_477 : i32 to index
        %get3A_478 = arith.constant 0 : index
        %get3A_479 = tpu.vector_load %arg7[%get3A, %get3A_478] {strides = array<i32>} : memref<800x32xf32, #tpu.memory_space<vmem>>, vector<1x16xf32>,
        %get3A_480 = vector.shape_cast %get3A_479 : vector<1x16xf32> to vector<16xf32>
        %add3A_481 = arith.addf %scan3A_474, %get3A_480 : vector<16xf32>
        %get3A_482 = arith.index_cast %add3A_477 : i32 to index
        %get3A_483 = arith.constant 16 : index
        %get3A_484 = tpu.vector_load %arg7[%get3A_482, %get3A_483] {strides = array<i32>} : memref<800x32xf32, #tpu.memory_space<vmem>>, vector<1x16xf32>,
        %get3A_485 = vector.shape_cast %get3A_484 : vector<1x16xf32> to vector<16xf32>
        %add3A_486 = arith.addf %scan3A_475, %get3A_485 : vector<16xf32>
        %scan3A_487 = arith.constant 1 : i32
        %scan3A_488 = arith.addi %scan3A_473, %scan3A_487 : i32
        %add3A_489 = arith.constant 400 : i32
        %add3A_490 = arith.addi %add3A_489, %scan3A_488 : i32
        %get3A_491 = arith.index_cast %add3A_490 : i32 to index
        %get3A_492 = arith.constant 0 : index
        %get3A_493 = tpu.vector_load %arg7[%get3A_491, %get3A_492] {strides = array<i32>} : memref<800x32xf32, #tpu.memory_space<vmem>>, vector<1x16xf32>,
        %get3A_494 = vector.shape_cast %get3A_493 : vector<1x16xf32> to vector<16xf32>
        %add3A_495 = arith.addf %add3A_481, %get3A_494 : vector<16xf32>
        %get3A_496 = arith.index_cast %add3A_490 : i32 to index
        %get3A_497 = arith.constant 16 : index
        %get3A_498 = tpu.vector_load %arg7[%get3A_496, %get3A_497] {strides = array<i32>} : memref<800x32xf32, #tpu.memory_space<vmem>>, vector<1x16xf32>,
        %get3A_499 = vector.shape_cast %get3A_498 : vector<1x16xf32> to vector<16xf32>
        %add3A_500 = arith.addf %add3A_486, %get3A_499 : vector<16xf32>
        %scan3A_501 = arith.constant 2 : i32
        %scan3A_502 = arith.addi %scan3A_473, %scan3A_501 : i32
        %add3A_503 = arith.constant 400 : i32
        %add3A_504 = arith.addi %add3A_503, %scan3A_502 : i32
        %get3A_505 = arith.index_cast %add3A_504 : i32 to index
        %get3A_506 = arith.constant 0 : index
        %get3A_507 = tpu.vector_load %arg7[%get3A_505, %get3A_506] {strides = array<i32>} : memref<800x32xf32, #tpu.memory_space<vmem>>, vector<1x16xf32>,
        %get3A_508 = vector.shape_cast %get3A_507 : vector<1x16xf32> to vector<16xf32>
        %add3A_509 = arith.addf %add3A_495, %get3A_508 : vector<16xf32>
        %get3A_510 = arith.index_cast %add3A_504 : i32 to index
        %get3A_511 = arith.constant 16 : index
        %get3A_512 = tpu.vector_load %arg7[%get3A_510, %get3A_511] {strides = array<i32>} : memref<800x32xf32, #tpu.memory_space<vmem>>, vector<1x16xf32>,
        %get3A_513 = vector.shape_cast %get3A_512 : vector<1x16xf32> to vector<16xf32>
        %add3A_514 = arith.addf %add3A_500, %get3A_513 : vector<16xf32>
        %scan3A_515 = arith.constant 3 : i32
        %scan3A_516 = arith.addi %scan3A_473, %scan3A_515 : i32
        %add3A_517 = arith.constant 400 : i32
        %add3A_518 = arith.addi %add3A_517, %scan3A_516 : i32
        %get3A_519 = arith.index_cast %add3A_518 : i32 to index
        %get3A_520 = arith.constant 0 : index
        %get3A_521 = tpu.vector_load %arg7[%get3A_519, %get3A_520] {strides = array<i32>} : memref<800x32xf32, #tpu.memory_space<vmem>>, vector<1x16xf32>,
        %get3A_522 = vector.shape_cast %get3A_521 : vector<1x16xf32> to vector<16xf32>
        %add3A_523 = arith.addf %add3A_509, %get3A_522 : vector<16xf32>
        %get3A_524 = arith.index_cast %add3A_518 : i32 to index
        %get3A_525 = arith.constant 16 : index
        %get3A_526 = tpu.vector_load %arg7[%get3A_524, %get3A_525] {strides = array<i32>} : memref<800x32xf32, #tpu.memory_space<vmem>>, vector<1x16xf32>,
        %get3A_527 = vector.shape_cast %get3A_526 : vector<1x16xf32> to vector<16xf32>
        %add3A_528 = arith.addf %add3A_514, %get3A_527 : vector<16xf32>
        %scan3A_529 = arith.constant 4 : i32
        %scan3A_530 = arith.addi %scan3A_473, %scan3A_529 : i32
        %add3A_531 = arith.constant 400 : i32
        %add3A_532 = arith.addi %add3A_531, %scan3A_530 : i32
        %get3A_533 = arith.index_cast %add3A_532 : i32 to index
        %get3A_534 = arith.constant 0 : index
        %get3A_535 = tpu.vector_load %arg7[%get3A_533, %get3A_534] {strides = array<i32>} : memref<800x32xf32, #tpu.memory_space<vmem>>, vector<1x16xf32>,
        %get3A_536 = vector.shape_cast %get3A_535 : vector<1x16xf32> to vector<16xf32>
        %add3A_537 = arith.addf %add3A_523, %get3A_536 : vector<16xf32>
        %get3A_538 = arith.index_cast %add3A_532 : i32 to index
        %get3A_539 = arith.constant 16 : index
        %get3A_540 = tpu.vector_load %arg7[%get3A_538, %get3A_539] {strides = array<i32>} : memref<800x32xf32, #tpu.memory_space<vmem>>, vector<1x16xf32>,
        %get3A_541 = vector.shape_cast %get3A_540 : vector<1x16xf32> to vector<16xf32>
        %add3A_542 = arith.addf %add3A_528, %get3A_541 : vector<16xf32>
        %scan3A_543 = arith.constant 5 : i32
        %scan3A_544 = arith.addi %scan3A_473, %scan3A_543 : i32
        %add3A_545 = arith.constant 400 : i32
        %add3A_546 = arith.addi %add3A_545, %scan3A_544 : i32
        %get3A_547 = arith.index_cast %add3A_546 : i32 to index
        %get3A_548 = arith.constant 0 : index
        %get3A_549 = tpu.vector_load %arg7[%get3A_547, %get3A_548] {strides = array<i32>} : memref<800x32xf32, #tpu.memory_space<vmem>>, vector<1x16xf32>,
        %get3A_550 = vector.shape_cast %get3A_549 : vector<1x16xf32> to vector<16xf32>
        %add3A_551 = arith.addf %add3A_537, %get3A_550 : vector<16xf32>
        %get3A_552 = arith.index_cast %add3A_546 : i32 to index
        %get3A_553 = arith.constant 16 : index
        %get3A_554 = tpu.vector_load %arg7[%get3A_552, %get3A_553] {strides = array<i32>} : memref<800x32xf32, #tpu.memory_space<vmem>>, vector<1x16xf32>,
        %get3A_555 = vector.shape_cast %get3A_554 : vector<1x16xf32> to vector<16xf32>
        %add3A_556 = arith.addf %add3A_542, %get3A_555 : vector<16xf32>
        %scan3A_557 = arith.constant 6 : i32
        %scan3A_558 = arith.addi %scan3A_473, %scan3A_557 : i32
        %add3A_559 = arith.constant 400 : i32
        %add3A_560 = arith.addi %add3A_559, %scan3A_558 : i32
        %get3A_561 = arith.index_cast %add3A_560 : i32 to index
        %get3A_562 = arith.constant 0 : index
        %get3A_563 = tpu.vector_load %arg7[%get3A_561, %get3A_562] {strides = array<i32>} : memref<800x32xf32, #tpu.memory_space<vmem>>, vector<1x16xf32>,
        %get3A_564 = vector.shape_cast %get3A_563 : vector<1x16xf32> to vector<16xf32>
        %add3A_565 = arith.addf %add3A_551, %get3A_564 : vector<16xf32>
        %get3A_566 = arith.index_cast %add3A_560 : i32 to index
        %get3A_567 = arith.constant 16 : index
        %get3A_568 = tpu.vector_load %arg7[%get3A_566, %get3A_567] {strides = array<i32>} : memref<800x32xf32, #tpu.memory_space<vmem>>, vector<1x16xf32>,
        %get3A_569 = vector.shape_cast %get3A_568 : vector<1x16xf32> to vector<16xf32>
        %add3A_570 = arith.addf %add3A_556, %get3A_569 : vector<16xf32>
        %scan3A_571 = arith.constant 7 : i32
        %scan3A_572 = arith.addi %scan3A_473, %scan3A_571 : i32
        %add3A_573 = arith.constant 400 : i32
        %add3A_574 = arith.addi %add3A_573, %scan3A_572 : i32
        %get3A_575 = arith.index_cast %add3A_574 : i32 to index
        %get3A_576 = arith.constant 0 : index
        %get3A_577 = tpu.vector_load %arg7[%get3A_575, %get3A_576] {strides = array<i32>} : memref<800x32xf32, #tpu.memory_space<vmem>>, vector<1x16xf32>,
        %get3A_578 = vector.shape_cast %get3A_577 : vector<1x16xf32> to vector<16xf32>
        %add3A_579 = arith.addf %add3A_565, %get3A_578 : vector<16xf32>
        %get3A_580 = arith.index_cast %add3A_574 : i32 to index
        %get3A_581 = arith.constant 16 : index
        %get3A_582 = tpu.vector_load %arg7[%get3A_580, %get3A_581] {strides = array<i32>} : memref<800x32xf32, #tpu.memory_space<vmem>>, vector<1x16xf32>,
        %get3A_583 = vector.shape_cast %get3A_582 : vector<1x16xf32> to vector<16xf32>
        %add3A_584 = arith.addf %add3A_570, %get3A_583 : vector<16xf32>
        scf.yield %add3A_579, %add3A_584 : vector<16xf32>, vector<16xf32>
      }
      %scan3A_250 = arith.constant 200 : i32
      %mul3A_251 = arith.constant 4 : i32
      %mul3A_252 = arith.muli %add3A_109, %mul3A_251 : i32
      %add3A_253 = arith.constant 2 : i32
      %add3A_254 = arith.addi %mul3A_252, %add3A_253 : i32
      %swap3A_255 = arith.index_cast %add3A_254 : i32 to index
      %swap3A_256 = arith.constant 0 : index
      %swap3A_257 = tpu.vector_load %arg9[%swap3A_255, %swap3A_256] {strides = array<i32>} : memref<512x32xf32, #tpu.memory_space<vmem>>, vector<1x16xf32>,
      %swap3A_258 = vector.shape_cast %swap3A_257 : vector<1x16xf32> to vector<16xf32>
      %swap3A_259 = vector.shape_cast %scan3A_249#0 : vector<16xf32> to vector<1x16xf32>
      tpu.vector_store %arg9[%swap3A_255, %swap3A_256], %swap3A_259 {strides = array<i32>} : memref<512x32xf32, #tpu.memory_space<vmem>>, vector<1x16xf32>,
      %swap3A_260 = arith.index_cast %add3A_254 : i32 to index
      %swap3A_261 = arith.constant 16 : index
      %swap3A_262 = tpu.vector_load %arg9[%swap3A_260, %swap3A_261] {strides = array<i32>} : memref<512x32xf32, #tpu.memory_space<vmem>>, vector<1x16xf32>,
      %swap3A_263 = vector.shape_cast %swap3A_262 : vector<1x16xf32> to vector<16xf32>
      %swap3A_264 = vector.shape_cast %scan3A_249#1 : vector<16xf32> to vector<1x16xf32>
      tpu.vector_store %arg9[%swap3A_260, %swap3A_261], %swap3A_264 {strides = array<i32>} : memref<512x32xf32, #tpu.memory_space<vmem>>, vector<1x16xf32>,
      %broadcast_in_dim3A_265 = arith.constant 0.000000e+00 : f32
      %broadcast_in_dim3A_266 = vector.broadcast %broadcast_in_dim3A_265 : f32 to vector<16xf32>
      %scan3A_267 = arith.constant 0 : i32
      %scan3A_268 = arith.constant 200 : i32
      %scan3A_269 = arith.addi %scan3A_267, %scan3A_268 : i32
      %scan3A_270 = arith.constant 8 : i32
      %scan3A_271:2 = scf.for %scan3A_473 = %scan3A_267 to %scan3A_269 step %scan3A_270 iter_args(%scan3A_474 = %broadcast_in_dim3A_266, %scan3A_475 = %broadcast_in_dim3A_266) -> (vector<16xf32>, vector<16xf32>)  : i32 {
        %add3A_476 = arith.constant 600 : i32
        %add3A_477 = arith.addi %add3A_476, %scan3A_473 : i32
        %get3A = arith.index_cast %add3A_477 : i32 to index
        %get3A_478 = arith.constant 0 : index
        %get3A_479 = tpu.vector_load %arg7[%get3A, %get3A_478] {strides = array<i32>} : memref<800x32xf32, #tpu.memory_space<vmem>>, vector<1x16xf32>,
        %get3A_480 = vector.shape_cast %get3A_479 : vector<1x16xf32> to vector<16xf32>
        %add3A_481 = arith.addf %scan3A_474, %get3A_480 : vector<16xf32>
        %get3A_482 = arith.index_cast %add3A_477 : i32 to index
        %get3A_483 = arith.constant 16 : index
        %get3A_484 = tpu.vector_load %arg7[%get3A_482, %get3A_483] {strides = array<i32>} : memref<800x32xf32, #tpu.memory_space<vmem>>, vector<1x16xf32>,
        %get3A_485 = vector.shape_cast %get3A_484 : vector<1x16xf32> to vector<16xf32>
        %add3A_486 = arith.addf %scan3A_475, %get3A_485 : vector<16xf32>
        %scan3A_487 = arith.constant 1 : i32
        %scan3A_488 = arith.addi %scan3A_473, %scan3A_487 : i32
        %add3A_489 = arith.constant 600 : i32
        %add3A_490 = arith.addi %add3A_489, %scan3A_488 : i32
        %get3A_491 = arith.index_cast %add3A_490 : i32 to index
        %get3A_492 = arith.constant 0 : index
        %get3A_493 = tpu.vector_load %arg7[%get3A_491, %get3A_492] {strides = array<i32>} : memref<800x32xf32, #tpu.memory_space<vmem>>, vector<1x16xf32>,
        %get3A_494 = vector.shape_cast %get3A_493 : vector<1x16xf32> to vector<16xf32>
        %add3A_495 = arith.addf %add3A_481, %get3A_494 : vector<16xf32>
        %get3A_496 = arith.index_cast %add3A_490 : i32 to index
        %get3A_497 = arith.constant 16 : index
        %get3A_498 = tpu.vector_load %arg7[%get3A_496, %get3A_497] {strides = array<i32>} : memref<800x32xf32, #tpu.memory_space<vmem>>, vector<1x16xf32>,
        %get3A_499 = vector.shape_cast %get3A_498 : vector<1x16xf32> to vector<16xf32>
        %add3A_500 = arith.addf %add3A_486, %get3A_499 : vector<16xf32>
        %scan3A_501 = arith.constant 2 : i32
        %scan3A_502 = arith.addi %scan3A_473, %scan3A_501 : i32
        %add3A_503 = arith.constant 600 : i32
        %add3A_504 = arith.addi %add3A_503, %scan3A_502 : i32
        %get3A_505 = arith.index_cast %add3A_504 : i32 to index
        %get3A_506 = arith.constant 0 : index
        %get3A_507 = tpu.vector_load %arg7[%get3A_505, %get3A_506] {strides = array<i32>} : memref<800x32xf32, #tpu.memory_space<vmem>>, vector<1x16xf32>,
        %get3A_508 = vector.shape_cast %get3A_507 : vector<1x16xf32> to vector<16xf32>
        %add3A_509 = arith.addf %add3A_495, %get3A_508 : vector<16xf32>
        %get3A_510 = arith.index_cast %add3A_504 : i32 to index
        %get3A_511 = arith.constant 16 : index
        %get3A_512 = tpu.vector_load %arg7[%get3A_510, %get3A_511] {strides = array<i32>} : memref<800x32xf32, #tpu.memory_space<vmem>>, vector<1x16xf32>,
        %get3A_513 = vector.shape_cast %get3A_512 : vector<1x16xf32> to vector<16xf32>
        %add3A_514 = arith.addf %add3A_500, %get3A_513 : vector<16xf32>
        %scan3A_515 = arith.constant 3 : i32
        %scan3A_516 = arith.addi %scan3A_473, %scan3A_515 : i32
        %add3A_517 = arith.constant 600 : i32
        %add3A_518 = arith.addi %add3A_517, %scan3A_516 : i32
        %get3A_519 = arith.index_cast %add3A_518 : i32 to index
        %get3A_520 = arith.constant 0 : index
        %get3A_521 = tpu.vector_load %arg7[%get3A_519, %get3A_520] {strides = array<i32>} : memref<800x32xf32, #tpu.memory_space<vmem>>, vector<1x16xf32>,
        %get3A_522 = vector.shape_cast %get3A_521 : vector<1x16xf32> to vector<16xf32>
        %add3A_523 = arith.addf %add3A_509, %get3A_522 : vector<16xf32>
        %get3A_524 = arith.index_cast %add3A_518 : i32 to index
        %get3A_525 = arith.constant 16 : index
        %get3A_526 = tpu.vector_load %arg7[%get3A_524, %get3A_525] {strides = array<i32>} : memref<800x32xf32, #tpu.memory_space<vmem>>, vector<1x16xf32>,
        %get3A_527 = vector.shape_cast %get3A_526 : vector<1x16xf32> to vector<16xf32>
        %add3A_528 = arith.addf %add3A_514, %get3A_527 : vector<16xf32>
        %scan3A_529 = arith.constant 4 : i32
        %scan3A_530 = arith.addi %scan3A_473, %scan3A_529 : i32
        %add3A_531 = arith.constant 600 : i32
        %add3A_532 = arith.addi %add3A_531, %scan3A_530 : i32
        %get3A_533 = arith.index_cast %add3A_532 : i32 to index
        %get3A_534 = arith.constant 0 : index
        %get3A_535 = tpu.vector_load %arg7[%get3A_533, %get3A_534] {strides = array<i32>} : memref<800x32xf32, #tpu.memory_space<vmem>>, vector<1x16xf32>,
        %get3A_536 = vector.shape_cast %get3A_535 : vector<1x16xf32> to vector<16xf32>
        %add3A_537 = arith.addf %add3A_523, %get3A_536 : vector<16xf32>
        %get3A_538 = arith.index_cast %add3A_532 : i32 to index
        %get3A_539 = arith.constant 16 : index
        %get3A_540 = tpu.vector_load %arg7[%get3A_538, %get3A_539] {strides = array<i32>} : memref<800x32xf32, #tpu.memory_space<vmem>>, vector<1x16xf32>,
        %get3A_541 = vector.shape_cast %get3A_540 : vector<1x16xf32> to vector<16xf32>
        %add3A_542 = arith.addf %add3A_528, %get3A_541 : vector<16xf32>
        %scan3A_543 = arith.constant 5 : i32
        %scan3A_544 = arith.addi %scan3A_473, %scan3A_543 : i32
        %add3A_545 = arith.constant 600 : i32
        %add3A_546 = arith.addi %add3A_545, %scan3A_544 : i32
        %get3A_547 = arith.index_cast %add3A_546 : i32 to index
        %get3A_548 = arith.constant 0 : index
        %get3A_549 = tpu.vector_load %arg7[%get3A_547, %get3A_548] {strides = array<i32>} : memref<800x32xf32, #tpu.memory_space<vmem>>, vector<1x16xf32>,
        %get3A_550 = vector.shape_cast %get3A_549 : vector<1x16xf32> to vector<16xf32>
        %add3A_551 = arith.addf %add3A_537, %get3A_550 : vector<16xf32>
        %get3A_552 = arith.index_cast %add3A_546 : i32 to index
        %get3A_553 = arith.constant 16 : index
        %get3A_554 = tpu.vector_load %arg7[%get3A_552, %get3A_553] {strides = array<i32>} : memref<800x32xf32, #tpu.memory_space<vmem>>, vector<1x16xf32>,
        %get3A_555 = vector.shape_cast %get3A_554 : vector<1x16xf32> to vector<16xf32>
        %add3A_556 = arith.addf %add3A_542, %get3A_555 : vector<16xf32>
        %scan3A_557 = arith.constant 6 : i32
        %scan3A_558 = arith.addi %scan3A_473, %scan3A_557 : i32
        %add3A_559 = arith.constant 600 : i32
        %add3A_560 = arith.addi %add3A_559, %scan3A_558 : i32
        %get3A_561 = arith.index_cast %add3A_560 : i32 to index
        %get3A_562 = arith.constant 0 : index
        %get3A_563 = tpu.vector_load %arg7[%get3A_561, %get3A_562] {strides = array<i32>} : memref<800x32xf32, #tpu.memory_space<vmem>>, vector<1x16xf32>,
        %get3A_564 = vector.shape_cast %get3A_563 : vector<1x16xf32> to vector<16xf32>
        %add3A_565 = arith.addf %add3A_551, %get3A_564 : vector<16xf32>
        %get3A_566 = arith.index_cast %add3A_560 : i32 to index
        %get3A_567 = arith.constant 16 : index
        %get3A_568 = tpu.vector_load %arg7[%get3A_566, %get3A_567] {strides = array<i32>} : memref<800x32xf32, #tpu.memory_space<vmem>>, vector<1x16xf32>,
        %get3A_569 = vector.shape_cast %get3A_568 : vector<1x16xf32> to vector<16xf32>
        %add3A_570 = arith.addf %add3A_556, %get3A_569 : vector<16xf32>
        %scan3A_571 = arith.constant 7 : i32
        %scan3A_572 = arith.addi %scan3A_473, %scan3A_571 : i32
        %add3A_573 = arith.constant 600 : i32
        %add3A_574 = arith.addi %add3A_573, %scan3A_572 : i32
        %get3A_575 = arith.index_cast %add3A_574 : i32 to index
        %get3A_576 = arith.constant 0 : index
        %get3A_577 = tpu.vector_load %arg7[%get3A_575, %get3A_576] {strides = array<i32>} : memref<800x32xf32, #tpu.memory_space<vmem>>, vector<1x16xf32>,
        %get3A_578 = vector.shape_cast %get3A_577 : vector<1x16xf32> to vector<16xf32>
        %add3A_579 = arith.addf %add3A_565, %get3A_578 : vector<16xf32>
        %get3A_580 = arith.index_cast %add3A_574 : i32 to index
        %get3A_581 = arith.constant 16 : index
        %get3A_582 = tpu.vector_load %arg7[%get3A_580, %get3A_581] {strides = array<i32>} : memref<800x32xf32, #tpu.memory_space<vmem>>, vector<1x16xf32>,
        %get3A_583 = vector.shape_cast %get3A_582 : vector<1x16xf32> to vector<16xf32>
        %add3A_584 = arith.addf %add3A_570, %get3A_583 : vector<16xf32>
        scf.yield %add3A_579, %add3A_584 : vector<16xf32>, vector<16xf32>
      }
      %scan3A_272 = arith.constant 200 : i32
      %mul3A_273 = arith.constant 4 : i32
      %mul3A_274 = arith.muli %add3A_109, %mul3A_273 : i32
      %add3A_275 = arith.constant 3 : i32
      %add3A_276 = arith.addi %mul3A_274, %add3A_275 : i32
      %swap3A_277 = arith.index_cast %add3A_276 : i32 to index
      %swap3A_278 = arith.constant 0 : index
      %swap3A_279 = tpu.vector_load %arg9[%swap3A_277, %swap3A_278] {strides = array<i32>} : memref<512x32xf32, #tpu.memory_space<vmem>>, vector<1x16xf32>,
      %swap3A_280 = vector.shape_cast %swap3A_279 : vector<1x16xf32> to vector<16xf32>
      %swap3A_281 = vector.shape_cast %scan3A_271#0 : vector<16xf32> to vector<1x16xf32>
      tpu.vector_store %arg9[%swap3A_277, %swap3A_278], %swap3A_281 {strides = array<i32>} : memref<512x32xf32, #tpu.memory_space<vmem>>, vector<1x16xf32>,
      %swap3A_282 = arith.index_cast %add3A_276 : i32 to index
      %swap3A_283 = arith.constant 16 : index
      %swap3A_284 = tpu.vector_load %arg9[%swap3A_282, %swap3A_283] {strides = array<i32>} : memref<512x32xf32, #tpu.memory_space<vmem>>, vector<1x16xf32>,
      %swap3A_285 = vector.shape_cast %swap3A_284 : vector<1x16xf32> to vector<16xf32>
      %swap3A_286 = vector.shape_cast %scan3A_271#1 : vector<16xf32> to vector<1x16xf32>
      tpu.vector_store %arg9[%swap3A_282, %swap3A_283], %swap3A_286 {strides = array<i32>} : memref<512x32xf32, #tpu.memory_space<vmem>>, vector<1x16xf32>,
      %mul3A_287 = arith.constant 2 : i32
      %mul3A_288 = arith.muli %add3A_105, %mul3A_287 : i32
      %add3A_289 = arith.constant 1 : i32
      %add3A_290 = arith.addi %mul3A_288, %add3A_289 : i32
      %add3A_291 = arith.constant 1 : i32
      %add3A_292 = arith.addi %add3A_290, %add3A_291 : i32
      %lt3A_293 = arith.constant 128 : i32
      %lt3A_294 = arith.cmpi slt, %add3A_292, %lt3A_293 : i32
      %convert_element_type3A_295 = arith.extui %lt3A_294 : i1 to i32
      %cond3A_296 = arith.constant 0 : i32
      %cond3A_297 = arith.cmpi ne, %convert_element_type3A_295, %cond3A_296 : i32
      scf.if %cond3A_297 {
        %dma_wait3A_473 = arith.constant 0 : i32
        %dma_wait3A_474 = tpu.memref_slice %arg2[%mul3A_2, %dma_wait3A_473] : memref<16384x200xi32, #tpu.memory_space<hbm>> -> memref<4x200xi32, #tpu.memory_space<hbm>>
        %dma_wait3A_475 = arith.constant 0 : i32
        %dma_wait3A_476 = tpu.memref_slice %arg2[%mul3A_2, %dma_wait3A_475] : memref<16384x200xi32, #tpu.memory_space<hbm>> -> memref<4x200xi32, #tpu.memory_space<hbm>>
        tpu.wait_dma2 semaphore(%arg12 : memref<!tpu.dma_semaphore, #tpu.memory_space<semaphore_mem>>) src(%dma_wait3A_476 : memref<4x200xi32, #tpu.memory_space<hbm>>) dst(%arg5 : memref<4x200xi32, #tpu.memory_space<vmem>>)
        %dma_start3A_477 = arith.constant 0 : i32
        %dma_start3A_478 = arith.constant 0 : i32
        %dma_start3A_479 = arith.constant 0 : i32
        %dma_start3A_480 = tpu.memref_slice %arg7[%dma_start3A_478, %dma_start3A_479] : memref<800x32xf32, #tpu.memory_space<vmem>> -> memref<128x32xf32, #tpu.memory_space<vmem>>
        %dma_start3A_481 = arith.constant 0 : i32
        %dma_start3A_482 = tpu.memref_slice %arg5[%dma_start3A_477, %dma_start3A_481] : memref<4x200xi32, #tpu.memory_space<vmem>> -> memref<1x128xi32, #tpu.memory_space<vmem>>
        %dma_start3A_483 = tpu.memref_squeeze %dma_start3A_482 : memref<1x128xi32, #tpu.memory_space<vmem>> -> memref<128xi32, #tpu.memory_space<vmem>>
        %dma_start3A_484 = arith.constant 0 : i32
        %dma_start3A_485 = arith.constant 0 : i32
        %dma_start3A_486 = tpu.memref_slice %arg3[%dma_start3A_484, %dma_start3A_485] : memref<1000000x32xf32, #tpu.memory_space<hbm>> -> memref<1000000x32xf32, #tpu.memory_space<hbm>>
        tpu.enqueue_indirect_dma source(%dma_start3A_486 : memref<1000000x32xf32, #tpu.memory_space<hbm>>) target(%dma_start3A_480 : memref<128x32xf32, #tpu.memory_space<vmem>>) offsets(%dma_start3A_483 : memref<128xi32, #tpu.memory_space<vmem>>) semaphore(%arg10 : memref<!tpu.dma_semaphore, #tpu.memory_space<semaphore_mem>>)
        %dma_start3A_487 = arith.constant 0 : i32
        %dma_start3A_488 = arith.constant 128 : i32
        %dma_start3A_489 = arith.constant 0 : i32
        %dma_start3A_490 = tpu.memref_slice %arg7[%dma_start3A_488, %dma_start3A_489] : memref<800x32xf32, #tpu.memory_space<vmem>> -> memref<72x32xf32, #tpu.memory_space<vmem>>
        %dma_start3A_491 = arith.constant 128 : i32
        %dma_start3A_492 = tpu.memref_slice %arg5[%dma_start3A_487, %dma_start3A_491] : memref<4x200xi32, #tpu.memory_space<vmem>> -> memref<1x72xi32, #tpu.memory_space<vmem>>
        %dma_start3A_493 = tpu.memref_squeeze %dma_start3A_492 : memref<1x72xi32, #tpu.memory_space<vmem>> -> memref<72xi32, #tpu.memory_space<vmem>>
        %dma_start3A_494 = arith.constant 0 : i32
        %dma_start3A_495 = arith.constant 0 : i32
        %dma_start3A_496 = tpu.memref_slice %arg3[%dma_start3A_494, %dma_start3A_495] : memref<1000000x32xf32, #tpu.memory_space<hbm>> -> memref<1000000x32xf32, #tpu.memory_space<hbm>>
        tpu.enqueue_indirect_dma source(%dma_start3A_496 : memref<1000000x32xf32, #tpu.memory_space<hbm>>) target(%dma_start3A_490 : memref<72x32xf32, #tpu.memory_space<vmem>>) offsets(%dma_start3A_493 : memref<72xi32, #tpu.memory_space<vmem>>) semaphore(%arg10 : memref<!tpu.dma_semaphore, #tpu.memory_space<semaphore_mem>>)
        %dma_start3A_497 = arith.constant 1 : i32
        %dma_start3A_498 = arith.constant 200 : i32
        %dma_start3A_499 = arith.constant 0 : i32
        %dma_start3A_500 = tpu.memref_slice %arg7[%dma_start3A_498, %dma_start3A_499] : memref<800x32xf32, #tpu.memory_space<vmem>> -> memref<128x32xf32, #tpu.memory_space<vmem>>
        %dma_start3A_501 = arith.constant 0 : i32
        %dma_start3A_502 = tpu.memref_slice %arg5[%dma_start3A_497, %dma_start3A_501] : memref<4x200xi32, #tpu.memory_space<vmem>> -> memref<1x128xi32, #tpu.memory_space<vmem>>
        %dma_start3A_503 = tpu.memref_squeeze %dma_start3A_502 : memref<1x128xi32, #tpu.memory_space<vmem>> -> memref<128xi32, #tpu.memory_space<vmem>>
        %dma_start3A_504 = arith.constant 0 : i32
        %dma_start3A_505 = arith.constant 0 : i32
        %dma_start3A_506 = tpu.memref_slice %arg3[%dma_start3A_504, %dma_start3A_505] : memref<1000000x32xf32, #tpu.memory_space<hbm>> -> memref<1000000x32xf32, #tpu.memory_space<hbm>>
        tpu.enqueue_indirect_dma source(%dma_start3A_506 : memref<1000000x32xf32, #tpu.memory_space<hbm>>) target(%dma_start3A_500 : memref<128x32xf32, #tpu.memory_space<vmem>>) offsets(%dma_start3A_503 : memref<128xi32, #tpu.memory_space<vmem>>) semaphore(%arg10 : memref<!tpu.dma_semaphore, #tpu.memory_space<semaphore_mem>>)
        %dma_start3A_507 = arith.constant 1 : i32
        %dma_start3A_508 = arith.constant 328 : i32
        %dma_start3A_509 = arith.constant 0 : i32
        %dma_start3A_510 = tpu.memref_slice %arg7[%dma_start3A_508, %dma_start3A_509] : memref<800x32xf32, #tpu.memory_space<vmem>> -> memref<72x32xf32, #tpu.memory_space<vmem>>
        %dma_start3A_511 = arith.constant 128 : i32
        %dma_start3A_512 = tpu.memref_slice %arg5[%dma_start3A_507, %dma_start3A_511] : memref<4x200xi32, #tpu.memory_space<vmem>> -> memref<1x72xi32, #tpu.memory_space<vmem>>
        %dma_start3A_513 = tpu.memref_squeeze %dma_start3A_512 : memref<1x72xi32, #tpu.memory_space<vmem>> -> memref<72xi32, #tpu.memory_space<vmem>>
        %dma_start3A_514 = arith.constant 0 : i32
        %dma_start3A_515 = arith.constant 0 : i32
        %dma_start3A_516 = tpu.memref_slice %arg3[%dma_start3A_514, %dma_start3A_515] : memref<1000000x32xf32, #tpu.memory_space<hbm>> -> memref<1000000x32xf32, #tpu.memory_space<hbm>>
        tpu.enqueue_indirect_dma source(%dma_start3A_516 : memref<1000000x32xf32, #tpu.memory_space<hbm>>) target(%dma_start3A_510 : memref<72x32xf32, #tpu.memory_space<vmem>>) offsets(%dma_start3A_513 : memref<72xi32, #tpu.memory_space<vmem>>) semaphore(%arg10 : memref<!tpu.dma_semaphore, #tpu.memory_space<semaphore_mem>>)
        %dma_start3A_517 = arith.constant 2 : i32
        %dma_start3A_518 = arith.constant 400 : i32
        %dma_start3A_519 = arith.constant 0 : i32
        %dma_start3A_520 = tpu.memref_slice %arg7[%dma_start3A_518, %dma_start3A_519] : memref<800x32xf32, #tpu.memory_space<vmem>> -> memref<128x32xf32, #tpu.memory_space<vmem>>
        %dma_start3A_521 = arith.constant 0 : i32
        %dma_start3A_522 = tpu.memref_slice %arg5[%dma_start3A_517, %dma_start3A_521] : memref<4x200xi32, #tpu.memory_space<vmem>> -> memref<1x128xi32, #tpu.memory_space<vmem>>
        %dma_start3A_523 = tpu.memref_squeeze %dma_start3A_522 : memref<1x128xi32, #tpu.memory_space<vmem>> -> memref<128xi32, #tpu.memory_space<vmem>>
        %dma_start3A_524 = arith.constant 0 : i32
        %dma_start3A_525 = arith.constant 0 : i32
        %dma_start3A_526 = tpu.memref_slice %arg3[%dma_start3A_524, %dma_start3A_525] : memref<1000000x32xf32, #tpu.memory_space<hbm>> -> memref<1000000x32xf32, #tpu.memory_space<hbm>>
        tpu.enqueue_indirect_dma source(%dma_start3A_526 : memref<1000000x32xf32, #tpu.memory_space<hbm>>) target(%dma_start3A_520 : memref<128x32xf32, #tpu.memory_space<vmem>>) offsets(%dma_start3A_523 : memref<128xi32, #tpu.memory_space<vmem>>) semaphore(%arg10 : memref<!tpu.dma_semaphore, #tpu.memory_space<semaphore_mem>>)
        %dma_start3A_527 = arith.constant 2 : i32
        %dma_start3A_528 = arith.constant 528 : i32
        %dma_start3A_529 = arith.constant 0 : i32
        %dma_start3A_530 = tpu.memref_slice %arg7[%dma_start3A_528, %dma_start3A_529] : memref<800x32xf32, #tpu.memory_space<vmem>> -> memref<72x32xf32, #tpu.memory_space<vmem>>
        %dma_start3A_531 = arith.constant 128 : i32
        %dma_start3A_532 = tpu.memref_slice %arg5[%dma_start3A_527, %dma_start3A_531] : memref<4x200xi32, #tpu.memory_space<vmem>> -> memref<1x72xi32, #tpu.memory_space<vmem>>
        %dma_start3A_533 = tpu.memref_squeeze %dma_start3A_532 : memref<1x72xi32, #tpu.memory_space<vmem>> -> memref<72xi32, #tpu.memory_space<vmem>>
        %dma_start3A_534 = arith.constant 0 : i32
        %dma_start3A_535 = arith.constant 0 : i32
        %dma_start3A_536 = tpu.memref_slice %arg3[%dma_start3A_534, %dma_start3A_535] : memref<1000000x32xf32, #tpu.memory_space<hbm>> -> memref<1000000x32xf32, #tpu.memory_space<hbm>>
        tpu.enqueue_indirect_dma source(%dma_start3A_536 : memref<1000000x32xf32, #tpu.memory_space<hbm>>) target(%dma_start3A_530 : memref<72x32xf32, #tpu.memory_space<vmem>>) offsets(%dma_start3A_533 : memref<72xi32, #tpu.memory_space<vmem>>) semaphore(%arg10 : memref<!tpu.dma_semaphore, #tpu.memory_space<semaphore_mem>>)
        %dma_start3A_537 = arith.constant 3 : i32
        %dma_start3A_538 = arith.constant 600 : i32
        %dma_start3A_539 = arith.constant 0 : i32
        %dma_start3A_540 = tpu.memref_slice %arg7[%dma_start3A_538, %dma_start3A_539] : memref<800x32xf32, #tpu.memory_space<vmem>> -> memref<128x32xf32, #tpu.memory_space<vmem>>
        %dma_start3A_541 = arith.constant 0 : i32
        %dma_start3A_542 = tpu.memref_slice %arg5[%dma_start3A_537, %dma_start3A_541] : memref<4x200xi32, #tpu.memory_space<vmem>> -> memref<1x128xi32, #tpu.memory_space<vmem>>
        %dma_start3A_543 = tpu.memref_squeeze %dma_start3A_542 : memref<1x128xi32, #tpu.memory_space<vmem>> -> memref<128xi32, #tpu.memory_space<vmem>>
        %dma_start3A_544 = arith.constant 0 : i32
        %dma_start3A_545 = arith.constant 0 : i32
        %dma_start3A_546 = tpu.memref_slice %arg3[%dma_start3A_544, %dma_start3A_545] : memref<1000000x32xf32, #tpu.memory_space<hbm>> -> memref<1000000x32xf32, #tpu.memory_space<hbm>>
        tpu.enqueue_indirect_dma source(%dma_start3A_546 : memref<1000000x32xf32, #tpu.memory_space<hbm>>) target(%dma_start3A_540 : memref<128x32xf32, #tpu.memory_space<vmem>>) offsets(%dma_start3A_543 : memref<128xi32, #tpu.memory_space<vmem>>) semaphore(%arg10 : memref<!tpu.dma_semaphore, #tpu.memory_space<semaphore_mem>>)
        %dma_start3A_547 = arith.constant 3 : i32
        %dma_start3A_548 = arith.constant 728 : i32
        %dma_start3A_549 = arith.constant 0 : i32
        %dma_start3A_550 = tpu.memref_slice %arg7[%dma_start3A_548, %dma_start3A_549] : memref<800x32xf32, #tpu.memory_space<vmem>> -> memref<72x32xf32, #tpu.memory_space<vmem>>
        %dma_start3A_551 = arith.constant 128 : i32
        %dma_start3A_552 = tpu.memref_slice %arg5[%dma_start3A_547, %dma_start3A_551] : memref<4x200xi32, #tpu.memory_space<vmem>> -> memref<1x72xi32, #tpu.memory_space<vmem>>
        %dma_start3A_553 = tpu.memref_squeeze %dma_start3A_552 : memref<1x72xi32, #tpu.memory_space<vmem>> -> memref<72xi32, #tpu.memory_space<vmem>>
        %dma_start3A_554 = arith.constant 0 : i32
        %dma_start3A_555 = arith.constant 0 : i32
        %dma_start3A_556 = tpu.memref_slice %arg3[%dma_start3A_554, %dma_start3A_555] : memref<1000000x32xf32, #tpu.memory_space<hbm>> -> memref<1000000x32xf32, #tpu.memory_space<hbm>>
        tpu.enqueue_indirect_dma source(%dma_start3A_556 : memref<1000000x32xf32, #tpu.memory_space<hbm>>) target(%dma_start3A_550 : memref<72x32xf32, #tpu.memory_space<vmem>>) offsets(%dma_start3A_553 : memref<72xi32, #tpu.memory_space<vmem>>) semaphore(%arg10 : memref<!tpu.dma_semaphore, #tpu.memory_space<semaphore_mem>>)
      } else {
      }
      %dma_wait3A_298 = arith.constant 0 : i32
      %dma_wait3A_299 = arith.constant 0 : i32
      %dma_wait3A_300 = arith.constant 0 : i32
      %dma_wait3A_301 = tpu.memref_slice %arg8[%dma_wait3A_299, %dma_wait3A_300] : memref<800x32xf32, #tpu.memory_space<vmem>> -> memref<128x32xf32, #tpu.memory_space<vmem>>
      %dma_wait3A_302 = arith.constant 0 : i32
      %dma_wait3A_303 = tpu.memref_slice %arg6[%dma_wait3A_298, %dma_wait3A_302] : memref<4x200xi32, #tpu.memory_space<vmem>> -> memref<1x128xi32, #tpu.memory_space<vmem>>
      %dma_wait3A_304 = tpu.memref_squeeze %dma_wait3A_303 : memref<1x128xi32, #tpu.memory_space<vmem>> -> memref<128xi32, #tpu.memory_space<vmem>>
      %dma_wait3A_305 = arith.constant 0 : i32
      %dma_wait3A_306 = arith.constant 0 : i32
      %dma_wait3A_307 = tpu.memref_slice %arg3[%dma_wait3A_305, %dma_wait3A_306] : memref<1000000x32xf32, #tpu.memory_space<hbm>> -> memref<1000000x32xf32, #tpu.memory_space<hbm>>
      tpu.wait_indirect_dma semaphore(%arg11 : memref<!tpu.dma_semaphore, #tpu.memory_space<semaphore_mem>>) src(%dma_wait3A_307 : memref<1000000x32xf32, #tpu.memory_space<hbm>>) dst(%dma_wait3A_301 : memref<128x32xf32, #tpu.memory_space<vmem>>)
      %dma_wait3A_308 = arith.constant 0 : i32
      %dma_wait3A_309 = arith.constant 128 : i32
      %dma_wait3A_310 = arith.constant 0 : i32
      %dma_wait3A_311 = tpu.memref_slice %arg8[%dma_wait3A_309, %dma_wait3A_310] : memref<800x32xf32, #tpu.memory_space<vmem>> -> memref<72x32xf32, #tpu.memory_space<vmem>>
      %dma_wait3A_312 = arith.constant 128 : i32
      %dma_wait3A_313 = tpu.memref_slice %arg6[%dma_wait3A_308, %dma_wait3A_312] : memref<4x200xi32, #tpu.memory_space<vmem>> -> memref<1x72xi32, #tpu.memory_space<vmem>>
      %dma_wait3A_314 = tpu.memref_squeeze %dma_wait3A_313 : memref<1x72xi32, #tpu.memory_space<vmem>> -> memref<72xi32, #tpu.memory_space<vmem>>
      %dma_wait3A_315 = arith.constant 0 : i32
      %dma_wait3A_316 = arith.constant 0 : i32
      %dma_wait3A_317 = tpu.memref_slice %arg3[%dma_wait3A_315, %dma_wait3A_316] : memref<1000000x32xf32, #tpu.memory_space<hbm>> -> memref<1000000x32xf32, #tpu.memory_space<hbm>>
      tpu.wait_indirect_dma semaphore(%arg11 : memref<!tpu.dma_semaphore, #tpu.memory_space<semaphore_mem>>) src(%dma_wait3A_317 : memref<1000000x32xf32, #tpu.memory_space<hbm>>) dst(%dma_wait3A_311 : memref<72x32xf32, #tpu.memory_space<vmem>>)
      %dma_wait3A_318 = arith.constant 1 : i32
      %dma_wait3A_319 = arith.constant 200 : i32
      %dma_wait3A_320 = arith.constant 0 : i32
      %dma_wait3A_321 = tpu.memref_slice %arg8[%dma_wait3A_319, %dma_wait3A_320] : memref<800x32xf32, #tpu.memory_space<vmem>> -> memref<128x32xf32, #tpu.memory_space<vmem>>
      %dma_wait3A_322 = arith.constant 0 : i32
      %dma_wait3A_323 = tpu.memref_slice %arg6[%dma_wait3A_318, %dma_wait3A_322] : memref<4x200xi32, #tpu.memory_space<vmem>> -> memref<1x128xi32, #tpu.memory_space<vmem>>
      %dma_wait3A_324 = tpu.memref_squeeze %dma_wait3A_323 : memref<1x128xi32, #tpu.memory_space<vmem>> -> memref<128xi32, #tpu.memory_space<vmem>>
      %dma_wait3A_325 = arith.constant 0 : i32
      %dma_wait3A_326 = arith.constant 0 : i32
      %dma_wait3A_327 = tpu.memref_slice %arg3[%dma_wait3A_325, %dma_wait3A_326] : memref<1000000x32xf32, #tpu.memory_space<hbm>> -> memref<1000000x32xf32, #tpu.memory_space<hbm>>
      tpu.wait_indirect_dma semaphore(%arg11 : memref<!tpu.dma_semaphore, #tpu.memory_space<semaphore_mem>>) src(%dma_wait3A_327 : memref<1000000x32xf32, #tpu.memory_space<hbm>>) dst(%dma_wait3A_321 : memref<128x32xf32, #tpu.memory_space<vmem>>)
      %dma_wait3A_328 = arith.constant 1 : i32
      %dma_wait3A_329 = arith.constant 328 : i32
      %dma_wait3A_330 = arith.constant 0 : i32
      %dma_wait3A_331 = tpu.memref_slice %arg8[%dma_wait3A_329, %dma_wait3A_330] : memref<800x32xf32, #tpu.memory_space<vmem>> -> memref<72x32xf32, #tpu.memory_space<vmem>>
      %dma_wait3A_332 = arith.constant 128 : i32
      %dma_wait3A_333 = tpu.memref_slice %arg6[%dma_wait3A_328, %dma_wait3A_332] : memref<4x200xi32, #tpu.memory_space<vmem>> -> memref<1x72xi32, #tpu.memory_space<vmem>>
      %dma_wait3A_334 = tpu.memref_squeeze %dma_wait3A_333 : memref<1x72xi32, #tpu.memory_space<vmem>> -> memref<72xi32, #tpu.memory_space<vmem>>
      %dma_wait3A_335 = arith.constant 0 : i32
      %dma_wait3A_336 = arith.constant 0 : i32
      %dma_wait3A_337 = tpu.memref_slice %arg3[%dma_wait3A_335, %dma_wait3A_336] : memref<1000000x32xf32, #tpu.memory_space<hbm>> -> memref<1000000x32xf32, #tpu.memory_space<hbm>>
      tpu.wait_indirect_dma semaphore(%arg11 : memref<!tpu.dma_semaphore, #tpu.memory_space<semaphore_mem>>) src(%dma_wait3A_337 : memref<1000000x32xf32, #tpu.memory_space<hbm>>) dst(%dma_wait3A_331 : memref<72x32xf32, #tpu.memory_space<vmem>>)
      %dma_wait3A_338 = arith.constant 2 : i32
      %dma_wait3A_339 = arith.constant 400 : i32
      %dma_wait3A_340 = arith.constant 0 : i32
      %dma_wait3A_341 = tpu.memref_slice %arg8[%dma_wait3A_339, %dma_wait3A_340] : memref<800x32xf32, #tpu.memory_space<vmem>> -> memref<128x32xf32, #tpu.memory_space<vmem>>
      %dma_wait3A_342 = arith.constant 0 : i32
      %dma_wait3A_343 = tpu.memref_slice %arg6[%dma_wait3A_338, %dma_wait3A_342] : memref<4x200xi32, #tpu.memory_space<vmem>> -> memref<1x128xi32, #tpu.memory_space<vmem>>
      %dma_wait3A_344 = tpu.memref_squeeze %dma_wait3A_343 : memref<1x128xi32, #tpu.memory_space<vmem>> -> memref<128xi32, #tpu.memory_space<vmem>>
      %dma_wait3A_345 = arith.constant 0 : i32
      %dma_wait3A_346 = arith.constant 0 : i32
      %dma_wait3A_347 = tpu.memref_slice %arg3[%dma_wait3A_345, %dma_wait3A_346] : memref<1000000x32xf32, #tpu.memory_space<hbm>> -> memref<1000000x32xf32, #tpu.memory_space<hbm>>
      tpu.wait_indirect_dma semaphore(%arg11 : memref<!tpu.dma_semaphore, #tpu.memory_space<semaphore_mem>>) src(%dma_wait3A_347 : memref<1000000x32xf32, #tpu.memory_space<hbm>>) dst(%dma_wait3A_341 : memref<128x32xf32, #tpu.memory_space<vmem>>)
      %dma_wait3A_348 = arith.constant 2 : i32
      %dma_wait3A_349 = arith.constant 528 : i32
      %dma_wait3A_350 = arith.constant 0 : i32
      %dma_wait3A_351 = tpu.memref_slice %arg8[%dma_wait3A_349, %dma_wait3A_350] : memref<800x32xf32, #tpu.memory_space<vmem>> -> memref<72x32xf32, #tpu.memory_space<vmem>>
      %dma_wait3A_352 = arith.constant 128 : i32
      %dma_wait3A_353 = tpu.memref_slice %arg6[%dma_wait3A_348, %dma_wait3A_352] : memref<4x200xi32, #tpu.memory_space<vmem>> -> memref<1x72xi32, #tpu.memory_space<vmem>>
      %dma_wait3A_354 = tpu.memref_squeeze %dma_wait3A_353 : memref<1x72xi32, #tpu.memory_space<vmem>> -> memref<72xi32, #tpu.memory_space<vmem>>
      %dma_wait3A_355 = arith.constant 0 : i32
      %dma_wait3A_356 = arith.constant 0 : i32
      %dma_wait3A_357 = tpu.memref_slice %arg3[%dma_wait3A_355, %dma_wait3A_356] : memref<1000000x32xf32, #tpu.memory_space<hbm>> -> memref<1000000x32xf32, #tpu.memory_space<hbm>>
      tpu.wait_indirect_dma semaphore(%arg11 : memref<!tpu.dma_semaphore, #tpu.memory_space<semaphore_mem>>) src(%dma_wait3A_357 : memref<1000000x32xf32, #tpu.memory_space<hbm>>) dst(%dma_wait3A_351 : memref<72x32xf32, #tpu.memory_space<vmem>>)
      %dma_wait3A_358 = arith.constant 3 : i32
      %dma_wait3A_359 = arith.constant 600 : i32
      %dma_wait3A_360 = arith.constant 0 : i32
      %dma_wait3A_361 = tpu.memref_slice %arg8[%dma_wait3A_359, %dma_wait3A_360] : memref<800x32xf32, #tpu.memory_space<vmem>> -> memref<128x32xf32, #tpu.memory_space<vmem>>
      %dma_wait3A_362 = arith.constant 0 : i32
      %dma_wait3A_363 = tpu.memref_slice %arg6[%dma_wait3A_358, %dma_wait3A_362] : memref<4x200xi32, #tpu.memory_space<vmem>> -> memref<1x128xi32, #tpu.memory_space<vmem>>
      %dma_wait3A_364 = tpu.memref_squeeze %dma_wait3A_363 : memref<1x128xi32, #tpu.memory_space<vmem>> -> memref<128xi32, #tpu.memory_space<vmem>>
      %dma_wait3A_365 = arith.constant 0 : i32
      %dma_wait3A_366 = arith.constant 0 : i32
      %dma_wait3A_367 = tpu.memref_slice %arg3[%dma_wait3A_365, %dma_wait3A_366] : memref<1000000x32xf32, #tpu.memory_space<hbm>> -> memref<1000000x32xf32, #tpu.memory_space<hbm>>
      tpu.wait_indirect_dma semaphore(%arg11 : memref<!tpu.dma_semaphore, #tpu.memory_space<semaphore_mem>>) src(%dma_wait3A_367 : memref<1000000x32xf32, #tpu.memory_space<hbm>>) dst(%dma_wait3A_361 : memref<128x32xf32, #tpu.memory_space<vmem>>)
      %dma_wait3A_368 = arith.constant 3 : i32
      %dma_wait3A_369 = arith.constant 728 : i32
      %dma_wait3A_370 = arith.constant 0 : i32
      %dma_wait3A_371 = tpu.memref_slice %arg8[%dma_wait3A_369, %dma_wait3A_370] : memref<800x32xf32, #tpu.memory_space<vmem>> -> memref<72x32xf32, #tpu.memory_space<vmem>>
      %dma_wait3A_372 = arith.constant 128 : i32
      %dma_wait3A_373 = tpu.memref_slice %arg6[%dma_wait3A_368, %dma_wait3A_372] : memref<4x200xi32, #tpu.memory_space<vmem>> -> memref<1x72xi32, #tpu.memory_space<vmem>>
      %dma_wait3A_374 = tpu.memref_squeeze %dma_wait3A_373 : memref<1x72xi32, #tpu.memory_space<vmem>> -> memref<72xi32, #tpu.memory_space<vmem>>
      %dma_wait3A_375 = arith.constant 0 : i32
      %dma_wait3A_376 = arith.constant 0 : i32
      %dma_wait3A_377 = tpu.memref_slice %arg3[%dma_wait3A_375, %dma_wait3A_376] : memref<1000000x32xf32, #tpu.memory_space<hbm>> -> memref<1000000x32xf32, #tpu.memory_space<hbm>>
      tpu.wait_indirect_dma semaphore(%arg11 : memref<!tpu.dma_semaphore, #tpu.memory_space<semaphore_mem>>) src(%dma_wait3A_377 : memref<1000000x32xf32, #tpu.memory_space<hbm>>) dst(%dma_wait3A_371 : memref<72x32xf32, #tpu.memory_space<vmem>>)
      %add3A_378 = arith.constant 2 : i32
      %add3A_379 = arith.addi %add3A_290, %add3A_378 : i32
      %lt3A_380 = arith.constant 128 : i32
      %lt3A_381 = arith.cmpi slt, %add3A_379, %lt3A_380 : i32
      %convert_element_type3A_382 = arith.extui %lt3A_381 : i1 to i32
      %cond3A_383 = arith.constant 0 : i32
      %cond3A_384 = arith.cmpi ne, %convert_element_type3A_382, %cond3A_383 : i32
      scf.if %cond3A_384 {
        %add3A_473 = arith.constant 2 : i32
        %add3A_474 = arith.addi %add3A_290, %add3A_473 : i32
        %mul3A_475 = arith.constant 4 : i32
        %mul3A_476 = arith.muli %add3A_474, %mul3A_475 : i32
        %add3A_477 = arith.addi %mul3A_2, %mul3A_476 : i32
        %dma_start3A_478 = arith.constant 0 : i32
        %dma_start3A_479 = tpu.memref_slice %arg2[%add3A_477, %dma_start3A_478] : memref<16384x200xi32, #tpu.memory_space<hbm>> -> memref<4x200xi32, #tpu.memory_space<hbm>>
        %dma_start3A_480 = arith.constant 0 : i32
        %dma_start3A_481 = tpu.memref_slice %arg2[%add3A_477, %dma_start3A_480] : memref<16384x200xi32, #tpu.memory_space<hbm>> -> memref<4x200xi32, #tpu.memory_space<hbm>>
        tpu.enqueue_dma source(%dma_start3A_481 : memref<4x200xi32, #tpu.memory_space<hbm>>) target(%arg6 : memref<4x200xi32, #tpu.memory_space<vmem>>) target_semaphore(%arg13 : memref<!tpu.dma_semaphore, #tpu.memory_space<semaphore_mem>>)
      } else {
      }
      %broadcast_in_dim3A_385 = arith.constant 0.000000e+00 : f32
      %broadcast_in_dim3A_386 = vector.broadcast %broadcast_in_dim3A_385 : f32 to vector<16xf32>
      %scan3A_387 = arith.constant 0 : i32
      %scan3A_388 = arith.constant 200 : i32
      %scan3A_389 = arith.addi %scan3A_387, %scan3A_388 : i32
      %scan3A_390 = arith.constant 8 : i32
      %scan3A_391:2 = scf.for %scan3A_473 = %scan3A_387 to %scan3A_389 step %scan3A_390 iter_args(%scan3A_474 = %broadcast_in_dim3A_386, %scan3A_475 = %broadcast_in_dim3A_386) -> (vector<16xf32>, vector<16xf32>)  : i32 {
        %add3A_476 = arith.constant 0 : i32
        %add3A_477 = arith.addi %add3A_476, %scan3A_473 : i32
        %get3A = arith.index_cast %add3A_477 : i32 to index
        %get3A_478 = arith.constant 0 : index
        %get3A_479 = tpu.vector_load %arg8[%get3A, %get3A_478] {strides = array<i32>} : memref<800x32xf32, #tpu.memory_space<vmem>>, vector<1x16xf32>,
        %get3A_480 = vector.shape_cast %get3A_479 : vector<1x16xf32> to vector<16xf32>
        %add3A_481 = arith.addf %scan3A_474, %get3A_480 : vector<16xf32>
        %get3A_482 = arith.index_cast %add3A_477 : i32 to index
        %get3A_483 = arith.constant 16 : index
        %get3A_484 = tpu.vector_load %arg8[%get3A_482, %get3A_483] {strides = array<i32>} : memref<800x32xf32, #tpu.memory_space<vmem>>, vector<1x16xf32>,
        %get3A_485 = vector.shape_cast %get3A_484 : vector<1x16xf32> to vector<16xf32>
        %add3A_486 = arith.addf %scan3A_475, %get3A_485 : vector<16xf32>
        %scan3A_487 = arith.constant 1 : i32
        %scan3A_488 = arith.addi %scan3A_473, %scan3A_487 : i32
        %add3A_489 = arith.constant 0 : i32
        %add3A_490 = arith.addi %add3A_489, %scan3A_488 : i32
        %get3A_491 = arith.index_cast %add3A_490 : i32 to index
        %get3A_492 = arith.constant 0 : index
        %get3A_493 = tpu.vector_load %arg8[%get3A_491, %get3A_492] {strides = array<i32>} : memref<800x32xf32, #tpu.memory_space<vmem>>, vector<1x16xf32>,
        %get3A_494 = vector.shape_cast %get3A_493 : vector<1x16xf32> to vector<16xf32>
        %add3A_495 = arith.addf %add3A_481, %get3A_494 : vector<16xf32>
        %get3A_496 = arith.index_cast %add3A_490 : i32 to index
        %get3A_497 = arith.constant 16 : index
        %get3A_498 = tpu.vector_load %arg8[%get3A_496, %get3A_497] {strides = array<i32>} : memref<800x32xf32, #tpu.memory_space<vmem>>, vector<1x16xf32>,
        %get3A_499 = vector.shape_cast %get3A_498 : vector<1x16xf32> to vector<16xf32>
        %add3A_500 = arith.addf %add3A_486, %get3A_499 : vector<16xf32>
        %scan3A_501 = arith.constant 2 : i32
        %scan3A_502 = arith.addi %scan3A_473, %scan3A_501 : i32
        %add3A_503 = arith.constant 0 : i32
        %add3A_504 = arith.addi %add3A_503, %scan3A_502 : i32
        %get3A_505 = arith.index_cast %add3A_504 : i32 to index
        %get3A_506 = arith.constant 0 : index
        %get3A_507 = tpu.vector_load %arg8[%get3A_505, %get3A_506] {strides = array<i32>} : memref<800x32xf32, #tpu.memory_space<vmem>>, vector<1x16xf32>,
        %get3A_508 = vector.shape_cast %get3A_507 : vector<1x16xf32> to vector<16xf32>
        %add3A_509 = arith.addf %add3A_495, %get3A_508 : vector<16xf32>
        %get3A_510 = arith.index_cast %add3A_504 : i32 to index
        %get3A_511 = arith.constant 16 : index
        %get3A_512 = tpu.vector_load %arg8[%get3A_510, %get3A_511] {strides = array<i32>} : memref<800x32xf32, #tpu.memory_space<vmem>>, vector<1x16xf32>,
        %get3A_513 = vector.shape_cast %get3A_512 : vector<1x16xf32> to vector<16xf32>
        %add3A_514 = arith.addf %add3A_500, %get3A_513 : vector<16xf32>
        %scan3A_515 = arith.constant 3 : i32
        %scan3A_516 = arith.addi %scan3A_473, %scan3A_515 : i32
        %add3A_517 = arith.constant 0 : i32
        %add3A_518 = arith.addi %add3A_517, %scan3A_516 : i32
        %get3A_519 = arith.index_cast %add3A_518 : i32 to index
        %get3A_520 = arith.constant 0 : index
        %get3A_521 = tpu.vector_load %arg8[%get3A_519, %get3A_520] {strides = array<i32>} : memref<800x32xf32, #tpu.memory_space<vmem>>, vector<1x16xf32>,
        %get3A_522 = vector.shape_cast %get3A_521 : vector<1x16xf32> to vector<16xf32>
        %add3A_523 = arith.addf %add3A_509, %get3A_522 : vector<16xf32>
        %get3A_524 = arith.index_cast %add3A_518 : i32 to index
        %get3A_525 = arith.constant 16 : index
        %get3A_526 = tpu.vector_load %arg8[%get3A_524, %get3A_525] {strides = array<i32>} : memref<800x32xf32, #tpu.memory_space<vmem>>, vector<1x16xf32>,
        %get3A_527 = vector.shape_cast %get3A_526 : vector<1x16xf32> to vector<16xf32>
        %add3A_528 = arith.addf %add3A_514, %get3A_527 : vector<16xf32>
        %scan3A_529 = arith.constant 4 : i32
        %scan3A_530 = arith.addi %scan3A_473, %scan3A_529 : i32
        %add3A_531 = arith.constant 0 : i32
        %add3A_532 = arith.addi %add3A_531, %scan3A_530 : i32
        %get3A_533 = arith.index_cast %add3A_532 : i32 to index
        %get3A_534 = arith.constant 0 : index
        %get3A_535 = tpu.vector_load %arg8[%get3A_533, %get3A_534] {strides = array<i32>} : memref<800x32xf32, #tpu.memory_space<vmem>>, vector<1x16xf32>,
        %get3A_536 = vector.shape_cast %get3A_535 : vector<1x16xf32> to vector<16xf32>
        %add3A_537 = arith.addf %add3A_523, %get3A_536 : vector<16xf32>
        %get3A_538 = arith.index_cast %add3A_532 : i32 to index
        %get3A_539 = arith.constant 16 : index
        %get3A_540 = tpu.vector_load %arg8[%get3A_538, %get3A_539] {strides = array<i32>} : memref<800x32xf32, #tpu.memory_space<vmem>>, vector<1x16xf32>,
        %get3A_541 = vector.shape_cast %get3A_540 : vector<1x16xf32> to vector<16xf32>
        %add3A_542 = arith.addf %add3A_528, %get3A_541 : vector<16xf32>
        %scan3A_543 = arith.constant 5 : i32
        %scan3A_544 = arith.addi %scan3A_473, %scan3A_543 : i32
        %add3A_545 = arith.constant 0 : i32
        %add3A_546 = arith.addi %add3A_545, %scan3A_544 : i32
        %get3A_547 = arith.index_cast %add3A_546 : i32 to index
        %get3A_548 = arith.constant 0 : index
        %get3A_549 = tpu.vector_load %arg8[%get3A_547, %get3A_548] {strides = array<i32>} : memref<800x32xf32, #tpu.memory_space<vmem>>, vector<1x16xf32>,
        %get3A_550 = vector.shape_cast %get3A_549 : vector<1x16xf32> to vector<16xf32>
        %add3A_551 = arith.addf %add3A_537, %get3A_550 : vector<16xf32>
        %get3A_552 = arith.index_cast %add3A_546 : i32 to index
        %get3A_553 = arith.constant 16 : index
        %get3A_554 = tpu.vector_load %arg8[%get3A_552, %get3A_553] {strides = array<i32>} : memref<800x32xf32, #tpu.memory_space<vmem>>, vector<1x16xf32>,
        %get3A_555 = vector.shape_cast %get3A_554 : vector<1x16xf32> to vector<16xf32>
        %add3A_556 = arith.addf %add3A_542, %get3A_555 : vector<16xf32>
        %scan3A_557 = arith.constant 6 : i32
        %scan3A_558 = arith.addi %scan3A_473, %scan3A_557 : i32
        %add3A_559 = arith.constant 0 : i32
        %add3A_560 = arith.addi %add3A_559, %scan3A_558 : i32
        %get3A_561 = arith.index_cast %add3A_560 : i32 to index
        %get3A_562 = arith.constant 0 : index
        %get3A_563 = tpu.vector_load %arg8[%get3A_561, %get3A_562] {strides = array<i32>} : memref<800x32xf32, #tpu.memory_space<vmem>>, vector<1x16xf32>,
        %get3A_564 = vector.shape_cast %get3A_563 : vector<1x16xf32> to vector<16xf32>
        %add3A_565 = arith.addf %add3A_551, %get3A_564 : vector<16xf32>
        %get3A_566 = arith.index_cast %add3A_560 : i32 to index
        %get3A_567 = arith.constant 16 : index
        %get3A_568 = tpu.vector_load %arg8[%get3A_566, %get3A_567] {strides = array<i32>} : memref<800x32xf32, #tpu.memory_space<vmem>>, vector<1x16xf32>,
        %get3A_569 = vector.shape_cast %get3A_568 : vector<1x16xf32> to vector<16xf32>
        %add3A_570 = arith.addf %add3A_556, %get3A_569 : vector<16xf32>
        %scan3A_571 = arith.constant 7 : i32
        %scan3A_572 = arith.addi %scan3A_473, %scan3A_571 : i32
        %add3A_573 = arith.constant 0 : i32
        %add3A_574 = arith.addi %add3A_573, %scan3A_572 : i32
        %get3A_575 = arith.index_cast %add3A_574 : i32 to index
        %get3A_576 = arith.constant 0 : index
        %get3A_577 = tpu.vector_load %arg8[%get3A_575, %get3A_576] {strides = array<i32>} : memref<800x32xf32, #tpu.memory_space<vmem>>, vector<1x16xf32>,
        %get3A_578 = vector.shape_cast %get3A_577 : vector<1x16xf32> to vector<16xf32>
        %add3A_579 = arith.addf %add3A_565, %get3A_578 : vector<16xf32>
        %get3A_580 = arith.index_cast %add3A_574 : i32 to index
        %get3A_581 = arith.constant 16 : index
        %get3A_582 = tpu.vector_load %arg8[%get3A_580, %get3A_581] {strides = array<i32>} : memref<800x32xf32, #tpu.memory_space<vmem>>, vector<1x16xf32>,
        %get3A_583 = vector.shape_cast %get3A_582 : vector<1x16xf32> to vector<16xf32>
        %add3A_584 = arith.addf %add3A_570, %get3A_583 : vector<16xf32>
        scf.yield %add3A_579, %add3A_584 : vector<16xf32>, vector<16xf32>
      }
      %scan3A_392 = arith.constant 200 : i32
      %mul3A_393 = arith.constant 4 : i32
      %mul3A_394 = arith.muli %add3A_290, %mul3A_393 : i32
      %add3A_395 = arith.constant 0 : i32
      %add3A_396 = arith.addi %mul3A_394, %add3A_395 : i32
      %swap3A_397 = arith.index_cast %add3A_396 : i32 to index
      %swap3A_398 = arith.constant 0 : index
      %swap3A_399 = tpu.vector_load %arg9[%swap3A_397, %swap3A_398] {strides = array<i32>} : memref<512x32xf32, #tpu.memory_space<vmem>>, vector<1x16xf32>,
      %swap3A_400 = vector.shape_cast %swap3A_399 : vector<1x16xf32> to vector<16xf32>
      %swap3A_401 = vector.shape_cast %scan3A_391#0 : vector<16xf32> to vector<1x16xf32>
      tpu.vector_store %arg9[%swap3A_397, %swap3A_398], %swap3A_401 {strides = array<i32>} : memref<512x32xf32, #tpu.memory_space<vmem>>, vector<1x16xf32>,
      %swap3A_402 = arith.index_cast %add3A_396 : i32 to index
      %swap3A_403 = arith.constant 16 : index
      %swap3A_404 = tpu.vector_load %arg9[%swap3A_402, %swap3A_403] {strides = array<i32>} : memref<512x32xf32, #tpu.memory_space<vmem>>, vector<1x16xf32>,
      %swap3A_405 = vector.shape_cast %swap3A_404 : vector<1x16xf32> to vector<16xf32>
      %swap3A_406 = vector.shape_cast %scan3A_391#1 : vector<16xf32> to vector<1x16xf32>
      tpu.vector_store %arg9[%swap3A_402, %swap3A_403], %swap3A_406 {strides = array<i32>} : memref<512x32xf32, #tpu.memory_space<vmem>>, vector<1x16xf32>,
      %broadcast_in_dim3A_407 = arith.constant 0.000000e+00 : f32
      %broadcast_in_dim3A_408 = vector.broadcast %broadcast_in_dim3A_407 : f32 to vector<16xf32>
      %scan3A_409 = arith.constant 0 : i32
      %scan3A_410 = arith.constant 200 : i32
      %scan3A_411 = arith.addi %scan3A_409, %scan3A_410 : i32
      %scan3A_412 = arith.constant 8 : i32
      %scan3A_413:2 = scf.for %scan3A_473 = %scan3A_409 to %scan3A_411 step %scan3A_412 iter_args(%scan3A_474 = %broadcast_in_dim3A_408, %scan3A_475 = %broadcast_in_dim3A_408) -> (vector<16xf32>, vector<16xf32>)  : i32 {
        %add3A_476 = arith.constant 200 : i32
        %add3A_477 = arith.addi %add3A_476, %scan3A_473 : i32
        %get3A = arith.index_cast %add3A_477 : i32 to index
        %get3A_478 = arith.constant 0 : index
        %get3A_479 = tpu.vector_load %arg8[%get3A, %get3A_478] {strides = array<i32>} : memref<800x32xf32, #tpu.memory_space<vmem>>, vector<1x16xf32>,
        %get3A_480 = vector.shape_cast %get3A_479 : vector<1x16xf32> to vector<16xf32>
        %add3A_481 = arith.addf %scan3A_474, %get3A_480 : vector<16xf32>
        %get3A_482 = arith.index_cast %add3A_477 : i32 to index
        %get3A_483 = arith.constant 16 : index
        %get3A_484 = tpu.vector_load %arg8[%get3A_482, %get3A_483] {strides = array<i32>} : memref<800x32xf32, #tpu.memory_space<vmem>>, vector<1x16xf32>,
        %get3A_485 = vector.shape_cast %get3A_484 : vector<1x16xf32> to vector<16xf32>
        %add3A_486 = arith.addf %scan3A_475, %get3A_485 : vector<16xf32>
        %scan3A_487 = arith.constant 1 : i32
        %scan3A_488 = arith.addi %scan3A_473, %scan3A_487 : i32
        %add3A_489 = arith.constant 200 : i32
        %add3A_490 = arith.addi %add3A_489, %scan3A_488 : i32
        %get3A_491 = arith.index_cast %add3A_490 : i32 to index
        %get3A_492 = arith.constant 0 : index
        %get3A_493 = tpu.vector_load %arg8[%get3A_491, %get3A_492] {strides = array<i32>} : memref<800x32xf32, #tpu.memory_space<vmem>>, vector<1x16xf32>,
        %get3A_494 = vector.shape_cast %get3A_493 : vector<1x16xf32> to vector<16xf32>
        %add3A_495 = arith.addf %add3A_481, %get3A_494 : vector<16xf32>
        %get3A_496 = arith.index_cast %add3A_490 : i32 to index
        %get3A_497 = arith.constant 16 : index
        %get3A_498 = tpu.vector_load %arg8[%get3A_496, %get3A_497] {strides = array<i32>} : memref<800x32xf32, #tpu.memory_space<vmem>>, vector<1x16xf32>,
        %get3A_499 = vector.shape_cast %get3A_498 : vector<1x16xf32> to vector<16xf32>
        %add3A_500 = arith.addf %add3A_486, %get3A_499 : vector<16xf32>
        %scan3A_501 = arith.constant 2 : i32
        %scan3A_502 = arith.addi %scan3A_473, %scan3A_501 : i32
        %add3A_503 = arith.constant 200 : i32
        %add3A_504 = arith.addi %add3A_503, %scan3A_502 : i32
        %get3A_505 = arith.index_cast %add3A_504 : i32 to index
        %get3A_506 = arith.constant 0 : index
        %get3A_507 = tpu.vector_load %arg8[%get3A_505, %get3A_506] {strides = array<i32>} : memref<800x32xf32, #tpu.memory_space<vmem>>, vector<1x16xf32>,
        %get3A_508 = vector.shape_cast %get3A_507 : vector<1x16xf32> to vector<16xf32>
        %add3A_509 = arith.addf %add3A_495, %get3A_508 : vector<16xf32>
        %get3A_510 = arith.index_cast %add3A_504 : i32 to index
        %get3A_511 = arith.constant 16 : index
        %get3A_512 = tpu.vector_load %arg8[%get3A_510, %get3A_511] {strides = array<i32>} : memref<800x32xf32, #tpu.memory_space<vmem>>, vector<1x16xf32>,
        %get3A_513 = vector.shape_cast %get3A_512 : vector<1x16xf32> to vector<16xf32>
        %add3A_514 = arith.addf %add3A_500, %get3A_513 : vector<16xf32>
        %scan3A_515 = arith.constant 3 : i32
        %scan3A_516 = arith.addi %scan3A_473, %scan3A_515 : i32
        %add3A_517 = arith.constant 200 : i32
        %add3A_518 = arith.addi %add3A_517, %scan3A_516 : i32
        %get3A_519 = arith.index_cast %add3A_518 : i32 to index
        %get3A_520 = arith.constant 0 : index
        %get3A_521 = tpu.vector_load %arg8[%get3A_519, %get3A_520] {strides = array<i32>} : memref<800x32xf32, #tpu.memory_space<vmem>>, vector<1x16xf32>,
        %get3A_522 = vector.shape_cast %get3A_521 : vector<1x16xf32> to vector<16xf32>
        %add3A_523 = arith.addf %add3A_509, %get3A_522 : vector<16xf32>
        %get3A_524 = arith.index_cast %add3A_518 : i32 to index
        %get3A_525 = arith.constant 16 : index
        %get3A_526 = tpu.vector_load %arg8[%get3A_524, %get3A_525] {strides = array<i32>} : memref<800x32xf32, #tpu.memory_space<vmem>>, vector<1x16xf32>,
        %get3A_527 = vector.shape_cast %get3A_526 : vector<1x16xf32> to vector<16xf32>
        %add3A_528 = arith.addf %add3A_514, %get3A_527 : vector<16xf32>
        %scan3A_529 = arith.constant 4 : i32
        %scan3A_530 = arith.addi %scan3A_473, %scan3A_529 : i32
        %add3A_531 = arith.constant 200 : i32
        %add3A_532 = arith.addi %add3A_531, %scan3A_530 : i32
        %get3A_533 = arith.index_cast %add3A_532 : i32 to index
        %get3A_534 = arith.constant 0 : index
        %get3A_535 = tpu.vector_load %arg8[%get3A_533, %get3A_534] {strides = array<i32>} : memref<800x32xf32, #tpu.memory_space<vmem>>, vector<1x16xf32>,
        %get3A_536 = vector.shape_cast %get3A_535 : vector<1x16xf32> to vector<16xf32>
        %add3A_537 = arith.addf %add3A_523, %get3A_536 : vector<16xf32>
        %get3A_538 = arith.index_cast %add3A_532 : i32 to index
        %get3A_539 = arith.constant 16 : index
        %get3A_540 = tpu.vector_load %arg8[%get3A_538, %get3A_539] {strides = array<i32>} : memref<800x32xf32, #tpu.memory_space<vmem>>, vector<1x16xf32>,
        %get3A_541 = vector.shape_cast %get3A_540 : vector<1x16xf32> to vector<16xf32>
        %add3A_542 = arith.addf %add3A_528, %get3A_541 : vector<16xf32>
        %scan3A_543 = arith.constant 5 : i32
        %scan3A_544 = arith.addi %scan3A_473, %scan3A_543 : i32
        %add3A_545 = arith.constant 200 : i32
        %add3A_546 = arith.addi %add3A_545, %scan3A_544 : i32
        %get3A_547 = arith.index_cast %add3A_546 : i32 to index
        %get3A_548 = arith.constant 0 : index
        %get3A_549 = tpu.vector_load %arg8[%get3A_547, %get3A_548] {strides = array<i32>} : memref<800x32xf32, #tpu.memory_space<vmem>>, vector<1x16xf32>,
        %get3A_550 = vector.shape_cast %get3A_549 : vector<1x16xf32> to vector<16xf32>
        %add3A_551 = arith.addf %add3A_537, %get3A_550 : vector<16xf32>
        %get3A_552 = arith.index_cast %add3A_546 : i32 to index
        %get3A_553 = arith.constant 16 : index
        %get3A_554 = tpu.vector_load %arg8[%get3A_552, %get3A_553] {strides = array<i32>} : memref<800x32xf32, #tpu.memory_space<vmem>>, vector<1x16xf32>,
        %get3A_555 = vector.shape_cast %get3A_554 : vector<1x16xf32> to vector<16xf32>
        %add3A_556 = arith.addf %add3A_542, %get3A_555 : vector<16xf32>
        %scan3A_557 = arith.constant 6 : i32
        %scan3A_558 = arith.addi %scan3A_473, %scan3A_557 : i32
        %add3A_559 = arith.constant 200 : i32
        %add3A_560 = arith.addi %add3A_559, %scan3A_558 : i32
        %get3A_561 = arith.index_cast %add3A_560 : i32 to index
        %get3A_562 = arith.constant 0 : index
        %get3A_563 = tpu.vector_load %arg8[%get3A_561, %get3A_562] {strides = array<i32>} : memref<800x32xf32, #tpu.memory_space<vmem>>, vector<1x16xf32>,
        %get3A_564 = vector.shape_cast %get3A_563 : vector<1x16xf32> to vector<16xf32>
        %add3A_565 = arith.addf %add3A_551, %get3A_564 : vector<16xf32>
        %get3A_566 = arith.index_cast %add3A_560 : i32 to index
        %get3A_567 = arith.constant 16 : index
        %get3A_568 = tpu.vector_load %arg8[%get3A_566, %get3A_567] {strides = array<i32>} : memref<800x32xf32, #tpu.memory_space<vmem>>, vector<1x16xf32>,
        %get3A_569 = vector.shape_cast %get3A_568 : vector<1x16xf32> to vector<16xf32>
        %add3A_570 = arith.addf %add3A_556, %get3A_569 : vector<16xf32>
        %scan3A_571 = arith.constant 7 : i32
        %scan3A_572 = arith.addi %scan3A_473, %scan3A_571 : i32
        %add3A_573 = arith.constant 200 : i32
        %add3A_574 = arith.addi %add3A_573, %scan3A_572 : i32
        %get3A_575 = arith.index_cast %add3A_574 : i32 to index
        %get3A_576 = arith.constant 0 : index
        %get3A_577 = tpu.vector_load %arg8[%get3A_575, %get3A_576] {strides = array<i32>} : memref<800x32xf32, #tpu.memory_space<vmem>>, vector<1x16xf32>,
        %get3A_578 = vector.shape_cast %get3A_577 : vector<1x16xf32> to vector<16xf32>
        %add3A_579 = arith.addf %add3A_565, %get3A_578 : vector<16xf32>
        %get3A_580 = arith.index_cast %add3A_574 : i32 to index
        %get3A_581 = arith.constant 16 : index
        %get3A_582 = tpu.vector_load %arg8[%get3A_580, %get3A_581] {strides = array<i32>} : memref<800x32xf32, #tpu.memory_space<vmem>>, vector<1x16xf32>,
        %get3A_583 = vector.shape_cast %get3A_582 : vector<1x16xf32> to vector<16xf32>
        %add3A_584 = arith.addf %add3A_570, %get3A_583 : vector<16xf32>
        scf.yield %add3A_579, %add3A_584 : vector<16xf32>, vector<16xf32>
      }
      %scan3A_414 = arith.constant 200 : i32
      %mul3A_415 = arith.constant 4 : i32
      %mul3A_416 = arith.muli %add3A_290, %mul3A_415 : i32
      %add3A_417 = arith.constant 1 : i32
      %add3A_418 = arith.addi %mul3A_416, %add3A_417 : i32
      %swap3A_419 = arith.index_cast %add3A_418 : i32 to index
      %swap3A_420 = arith.constant 0 : index
      %swap3A_421 = tpu.vector_load %arg9[%swap3A_419, %swap3A_420] {strides = array<i32>} : memref<512x32xf32, #tpu.memory_space<vmem>>, vector<1x16xf32>,
      %swap3A_422 = vector.shape_cast %swap3A_421 : vector<1x16xf32> to vector<16xf32>
      %swap3A_423 = vector.shape_cast %scan3A_413#0 : vector<16xf32> to vector<1x16xf32>
      tpu.vector_store %arg9[%swap3A_419, %swap3A_420], %swap3A_423 {strides = array<i32>} : memref<512x32xf32, #tpu.memory_space<vmem>>, vector<1x16xf32>,
      %swap3A_424 = arith.index_cast %add3A_418 : i32 to index
      %swap3A_425 = arith.constant 16 : index
      %swap3A_426 = tpu.vector_load %arg9[%swap3A_424, %swap3A_425] {strides = array<i32>} : memref<512x32xf32, #tpu.memory_space<vmem>>, vector<1x16xf32>,
      %swap3A_427 = vector.shape_cast %swap3A_426 : vector<1x16xf32> to vector<16xf32>
      %swap3A_428 = vector.shape_cast %scan3A_413#1 : vector<16xf32> to vector<1x16xf32>
      tpu.vector_store %arg9[%swap3A_424, %swap3A_425], %swap3A_428 {strides = array<i32>} : memref<512x32xf32, #tpu.memory_space<vmem>>, vector<1x16xf32>,
      %broadcast_in_dim3A_429 = arith.constant 0.000000e+00 : f32
      %broadcast_in_dim3A_430 = vector.broadcast %broadcast_in_dim3A_429 : f32 to vector<16xf32>
      %scan3A_431 = arith.constant 0 : i32
      %scan3A_432 = arith.constant 200 : i32
      %scan3A_433 = arith.addi %scan3A_431, %scan3A_432 : i32
      %scan3A_434 = arith.constant 8 : i32
      %scan3A_435:2 = scf.for %scan3A_473 = %scan3A_431 to %scan3A_433 step %scan3A_434 iter_args(%scan3A_474 = %broadcast_in_dim3A_430, %scan3A_475 = %broadcast_in_dim3A_430) -> (vector<16xf32>, vector<16xf32>)  : i32 {
        %add3A_476 = arith.constant 400 : i32
        %add3A_477 = arith.addi %add3A_476, %scan3A_473 : i32
        %get3A = arith.index_cast %add3A_477 : i32 to index
        %get3A_478 = arith.constant 0 : index
        %get3A_479 = tpu.vector_load %arg8[%get3A, %get3A_478] {strides = array<i32>} : memref<800x32xf32, #tpu.memory_space<vmem>>, vector<1x16xf32>,
        %get3A_480 = vector.shape_cast %get3A_479 : vector<1x16xf32> to vector<16xf32>
        %add3A_481 = arith.addf %scan3A_474, %get3A_480 : vector<16xf32>
        %get3A_482 = arith.index_cast %add3A_477 : i32 to index
        %get3A_483 = arith.constant 16 : index
        %get3A_484 = tpu.vector_load %arg8[%get3A_482, %get3A_483] {strides = array<i32>} : memref<800x32xf32, #tpu.memory_space<vmem>>, vector<1x16xf32>,
        %get3A_485 = vector.shape_cast %get3A_484 : vector<1x16xf32> to vector<16xf32>
        %add3A_486 = arith.addf %scan3A_475, %get3A_485 : vector<16xf32>
        %scan3A_487 = arith.constant 1 : i32
        %scan3A_488 = arith.addi %scan3A_473, %scan3A_487 : i32
        %add3A_489 = arith.constant 400 : i32
        %add3A_490 = arith.addi %add3A_489, %scan3A_488 : i32
        %get3A_491 = arith.index_cast %add3A_490 : i32 to index
        %get3A_492 = arith.constant 0 : index
        %get3A_493 = tpu.vector_load %arg8[%get3A_491, %get3A_492] {strides = array<i32>} : memref<800x32xf32, #tpu.memory_space<vmem>>, vector<1x16xf32>,
        %get3A_494 = vector.shape_cast %get3A_493 : vector<1x16xf32> to vector<16xf32>
        %add3A_495 = arith.addf %add3A_481, %get3A_494 : vector<16xf32>
        %get3A_496 = arith.index_cast %add3A_490 : i32 to index
        %get3A_497 = arith.constant 16 : index
        %get3A_498 = tpu.vector_load %arg8[%get3A_496, %get3A_497] {strides = array<i32>} : memref<800x32xf32, #tpu.memory_space<vmem>>, vector<1x16xf32>,
        %get3A_499 = vector.shape_cast %get3A_498 : vector<1x16xf32> to vector<16xf32>
        %add3A_500 = arith.addf %add3A_486, %get3A_499 : vector<16xf32>
        %scan3A_501 = arith.constant 2 : i32
        %scan3A_502 = arith.addi %scan3A_473, %scan3A_501 : i32
        %add3A_503 = arith.constant 400 : i32
        %add3A_504 = arith.addi %add3A_503, %scan3A_502 : i32
        %get3A_505 = arith.index_cast %add3A_504 : i32 to index
        %get3A_506 = arith.constant 0 : index
        %get3A_507 = tpu.vector_load %arg8[%get3A_505, %get3A_506] {strides = array<i32>} : memref<800x32xf32, #tpu.memory_space<vmem>>, vector<1x16xf32>,
        %get3A_508 = vector.shape_cast %get3A_507 : vector<1x16xf32> to vector<16xf32>
        %add3A_509 = arith.addf %add3A_495, %get3A_508 : vector<16xf32>
        %get3A_510 = arith.index_cast %add3A_504 : i32 to index
        %get3A_511 = arith.constant 16 : index
        %get3A_512 = tpu.vector_load %arg8[%get3A_510, %get3A_511] {strides = array<i32>} : memref<800x32xf32, #tpu.memory_space<vmem>>, vector<1x16xf32>,
        %get3A_513 = vector.shape_cast %get3A_512 : vector<1x16xf32> to vector<16xf32>
        %add3A_514 = arith.addf %add3A_500, %get3A_513 : vector<16xf32>
        %scan3A_515 = arith.constant 3 : i32
        %scan3A_516 = arith.addi %scan3A_473, %scan3A_515 : i32
        %add3A_517 = arith.constant 400 : i32
        %add3A_518 = arith.addi %add3A_517, %scan3A_516 : i32
        %get3A_519 = arith.index_cast %add3A_518 : i32 to index
        %get3A_520 = arith.constant 0 : index
        %get3A_521 = tpu.vector_load %arg8[%get3A_519, %get3A_520] {strides = array<i32>} : memref<800x32xf32, #tpu.memory_space<vmem>>, vector<1x16xf32>,
        %get3A_522 = vector.shape_cast %get3A_521 : vector<1x16xf32> to vector<16xf32>
        %add3A_523 = arith.addf %add3A_509, %get3A_522 : vector<16xf32>
        %get3A_524 = arith.index_cast %add3A_518 : i32 to index
        %get3A_525 = arith.constant 16 : index
        %get3A_526 = tpu.vector_load %arg8[%get3A_524, %get3A_525] {strides = array<i32>} : memref<800x32xf32, #tpu.memory_space<vmem>>, vector<1x16xf32>,
        %get3A_527 = vector.shape_cast %get3A_526 : vector<1x16xf32> to vector<16xf32>
        %add3A_528 = arith.addf %add3A_514, %get3A_527 : vector<16xf32>
        %scan3A_529 = arith.constant 4 : i32
        %scan3A_530 = arith.addi %scan3A_473, %scan3A_529 : i32
        %add3A_531 = arith.constant 400 : i32
        %add3A_532 = arith.addi %add3A_531, %scan3A_530 : i32
        %get3A_533 = arith.index_cast %add3A_532 : i32 to index
        %get3A_534 = arith.constant 0 : index
        %get3A_535 = tpu.vector_load %arg8[%get3A_533, %get3A_534] {strides = array<i32>} : memref<800x32xf32, #tpu.memory_space<vmem>>, vector<1x16xf32>,
        %get3A_536 = vector.shape_cast %get3A_535 : vector<1x16xf32> to vector<16xf32>
        %add3A_537 = arith.addf %add3A_523, %get3A_536 : vector<16xf32>
        %get3A_538 = arith.index_cast %add3A_532 : i32 to index
        %get3A_539 = arith.constant 16 : index
        %get3A_540 = tpu.vector_load %arg8[%get3A_538, %get3A_539] {strides = array<i32>} : memref<800x32xf32, #tpu.memory_space<vmem>>, vector<1x16xf32>,
        %get3A_541 = vector.shape_cast %get3A_540 : vector<1x16xf32> to vector<16xf32>
        %add3A_542 = arith.addf %add3A_528, %get3A_541 : vector<16xf32>
        %scan3A_543 = arith.constant 5 : i32
        %scan3A_544 = arith.addi %scan3A_473, %scan3A_543 : i32
        %add3A_545 = arith.constant 400 : i32
        %add3A_546 = arith.addi %add3A_545, %scan3A_544 : i32
        %get3A_547 = arith.index_cast %add3A_546 : i32 to index
        %get3A_548 = arith.constant 0 : index
        %get3A_549 = tpu.vector_load %arg8[%get3A_547, %get3A_548] {strides = array<i32>} : memref<800x32xf32, #tpu.memory_space<vmem>>, vector<1x16xf32>,
        %get3A_550 = vector.shape_cast %get3A_549 : vector<1x16xf32> to vector<16xf32>
        %add3A_551 = arith.addf %add3A_537, %get3A_550 : vector<16xf32>
        %get3A_552 = arith.index_cast %add3A_546 : i32 to index
        %get3A_553 = arith.constant 16 : index
        %get3A_554 = tpu.vector_load %arg8[%get3A_552, %get3A_553] {strides = array<i32>} : memref<800x32xf32, #tpu.memory_space<vmem>>, vector<1x16xf32>,
        %get3A_555 = vector.shape_cast %get3A_554 : vector<1x16xf32> to vector<16xf32>
        %add3A_556 = arith.addf %add3A_542, %get3A_555 : vector<16xf32>
        %scan3A_557 = arith.constant 6 : i32
        %scan3A_558 = arith.addi %scan3A_473, %scan3A_557 : i32
        %add3A_559 = arith.constant 400 : i32
        %add3A_560 = arith.addi %add3A_559, %scan3A_558 : i32
        %get3A_561 = arith.index_cast %add3A_560 : i32 to index
        %get3A_562 = arith.constant 0 : index
        %get3A_563 = tpu.vector_load %arg8[%get3A_561, %get3A_562] {strides = array<i32>} : memref<800x32xf32, #tpu.memory_space<vmem>>, vector<1x16xf32>,
        %get3A_564 = vector.shape_cast %get3A_563 : vector<1x16xf32> to vector<16xf32>
        %add3A_565 = arith.addf %add3A_551, %get3A_564 : vector<16xf32>
        %get3A_566 = arith.index_cast %add3A_560 : i32 to index
        %get3A_567 = arith.constant 16 : index
        %get3A_568 = tpu.vector_load %arg8[%get3A_566, %get3A_567] {strides = array<i32>} : memref<800x32xf32, #tpu.memory_space<vmem>>, vector<1x16xf32>,
        %get3A_569 = vector.shape_cast %get3A_568 : vector<1x16xf32> to vector<16xf32>
        %add3A_570 = arith.addf %add3A_556, %get3A_569 : vector<16xf32>
        %scan3A_571 = arith.constant 7 : i32
        %scan3A_572 = arith.addi %scan3A_473, %scan3A_571 : i32
        %add3A_573 = arith.constant 400 : i32
        %add3A_574 = arith.addi %add3A_573, %scan3A_572 : i32
        %get3A_575 = arith.index_cast %add3A_574 : i32 to index
        %get3A_576 = arith.constant 0 : index
        %get3A_577 = tpu.vector_load %arg8[%get3A_575, %get3A_576] {strides = array<i32>} : memref<800x32xf32, #tpu.memory_space<vmem>>, vector<1x16xf32>,
        %get3A_578 = vector.shape_cast %get3A_577 : vector<1x16xf32> to vector<16xf32>
        %add3A_579 = arith.addf %add3A_565, %get3A_578 : vector<16xf32>
        %get3A_580 = arith.index_cast %add3A_574 : i32 to index
        %get3A_581 = arith.constant 16 : index
        %get3A_582 = tpu.vector_load %arg8[%get3A_580, %get3A_581] {strides = array<i32>} : memref<800x32xf32, #tpu.memory_space<vmem>>, vector<1x16xf32>,
        %get3A_583 = vector.shape_cast %get3A_582 : vector<1x16xf32> to vector<16xf32>
        %add3A_584 = arith.addf %add3A_570, %get3A_583 : vector<16xf32>
        scf.yield %add3A_579, %add3A_584 : vector<16xf32>, vector<16xf32>
      }
      %scan3A_436 = arith.constant 200 : i32
      %mul3A_437 = arith.constant 4 : i32
      %mul3A_438 = arith.muli %add3A_290, %mul3A_437 : i32
      %add3A_439 = arith.constant 2 : i32
      %add3A_440 = arith.addi %mul3A_438, %add3A_439 : i32
      %swap3A_441 = arith.index_cast %add3A_440 : i32 to index
      %swap3A_442 = arith.constant 0 : index
      %swap3A_443 = tpu.vector_load %arg9[%swap3A_441, %swap3A_442] {strides = array<i32>} : memref<512x32xf32, #tpu.memory_space<vmem>>, vector<1x16xf32>,
      %swap3A_444 = vector.shape_cast %swap3A_443 : vector<1x16xf32> to vector<16xf32>
      %swap3A_445 = vector.shape_cast %scan3A_435#0 : vector<16xf32> to vector<1x16xf32>
      tpu.vector_store %arg9[%swap3A_441, %swap3A_442], %swap3A_445 {strides = array<i32>} : memref<512x32xf32, #tpu.memory_space<vmem>>, vector<1x16xf32>,
      %swap3A_446 = arith.index_cast %add3A_440 : i32 to index
      %swap3A_447 = arith.constant 16 : index
      %swap3A_448 = tpu.vector_load %arg9[%swap3A_446, %swap3A_447] {strides = array<i32>} : memref<512x32xf32, #tpu.memory_space<vmem>>, vector<1x16xf32>,
      %swap3A_449 = vector.shape_cast %swap3A_448 : vector<1x16xf32> to vector<16xf32>
      %swap3A_450 = vector.shape_cast %scan3A_435#1 : vector<16xf32> to vector<1x16xf32>
      tpu.vector_store %arg9[%swap3A_446, %swap3A_447], %swap3A_450 {strides = array<i32>} : memref<512x32xf32, #tpu.memory_space<vmem>>, vector<1x16xf32>,
      %broadcast_in_dim3A_451 = arith.constant 0.000000e+00 : f32
      %broadcast_in_dim3A_452 = vector.broadcast %broadcast_in_dim3A_451 : f32 to vector<16xf32>
      %scan3A_453 = arith.constant 0 : i32
      %scan3A_454 = arith.constant 200 : i32
      %scan3A_455 = arith.addi %scan3A_453, %scan3A_454 : i32
      %scan3A_456 = arith.constant 8 : i32
      %scan3A_457:2 = scf.for %scan3A_473 = %scan3A_453 to %scan3A_455 step %scan3A_456 iter_args(%scan3A_474 = %broadcast_in_dim3A_452, %scan3A_475 = %broadcast_in_dim3A_452) -> (vector<16xf32>, vector<16xf32>)  : i32 {
        %add3A_476 = arith.constant 600 : i32
        %add3A_477 = arith.addi %add3A_476, %scan3A_473 : i32
        %get3A = arith.index_cast %add3A_477 : i32 to index
        %get3A_478 = arith.constant 0 : index
        %get3A_479 = tpu.vector_load %arg8[%get3A, %get3A_478] {strides = array<i32>} : memref<800x32xf32, #tpu.memory_space<vmem>>, vector<1x16xf32>,
        %get3A_480 = vector.shape_cast %get3A_479 : vector<1x16xf32> to vector<16xf32>
        %add3A_481 = arith.addf %scan3A_474, %get3A_480 : vector<16xf32>
        %get3A_482 = arith.index_cast %add3A_477 : i32 to index
        %get3A_483 = arith.constant 16 : index
        %get3A_484 = tpu.vector_load %arg8[%get3A_482, %get3A_483] {strides = array<i32>} : memref<800x32xf32, #tpu.memory_space<vmem>>, vector<1x16xf32>,
        %get3A_485 = vector.shape_cast %get3A_484 : vector<1x16xf32> to vector<16xf32>
        %add3A_486 = arith.addf %scan3A_475, %get3A_485 : vector<16xf32>
        %scan3A_487 = arith.constant 1 : i32
        %scan3A_488 = arith.addi %scan3A_473, %scan3A_487 : i32
        %add3A_489 = arith.constant 600 : i32
        %add3A_490 = arith.addi %add3A_489, %scan3A_488 : i32
        %get3A_491 = arith.index_cast %add3A_490 : i32 to index
        %get3A_492 = arith.constant 0 : index
        %get3A_493 = tpu.vector_load %arg8[%get3A_491, %get3A_492] {strides = array<i32>} : memref<800x32xf32, #tpu.memory_space<vmem>>, vector<1x16xf32>,
        %get3A_494 = vector.shape_cast %get3A_493 : vector<1x16xf32> to vector<16xf32>
        %add3A_495 = arith.addf %add3A_481, %get3A_494 : vector<16xf32>
        %get3A_496 = arith.index_cast %add3A_490 : i32 to index
        %get3A_497 = arith.constant 16 : index
        %get3A_498 = tpu.vector_load %arg8[%get3A_496, %get3A_497] {strides = array<i32>} : memref<800x32xf32, #tpu.memory_space<vmem>>, vector<1x16xf32>,
        %get3A_499 = vector.shape_cast %get3A_498 : vector<1x16xf32> to vector<16xf32>
        %add3A_500 = arith.addf %add3A_486, %get3A_499 : vector<16xf32>
        %scan3A_501 = arith.constant 2 : i32
        %scan3A_502 = arith.addi %scan3A_473, %scan3A_501 : i32
        %add3A_503 = arith.constant 600 : i32
        %add3A_504 = arith.addi %add3A_503, %scan3A_502 : i32
        %get3A_505 = arith.index_cast %add3A_504 : i32 to index
        %get3A_506 = arith.constant 0 : index
        %get3A_507 = tpu.vector_load %arg8[%get3A_505, %get3A_506] {strides = array<i32>} : memref<800x32xf32, #tpu.memory_space<vmem>>, vector<1x16xf32>,
        %get3A_508 = vector.shape_cast %get3A_507 : vector<1x16xf32> to vector<16xf32>
        %add3A_509 = arith.addf %add3A_495, %get3A_508 : vector<16xf32>
        %get3A_510 = arith.index_cast %add3A_504 : i32 to index
        %get3A_511 = arith.constant 16 : index
        %get3A_512 = tpu.vector_load %arg8[%get3A_510, %get3A_511] {strides = array<i32>} : memref<800x32xf32, #tpu.memory_space<vmem>>, vector<1x16xf32>,
        %get3A_513 = vector.shape_cast %get3A_512 : vector<1x16xf32> to vector<16xf32>
        %add3A_514 = arith.addf %add3A_500, %get3A_513 : vector<16xf32>
        %scan3A_515 = arith.constant 3 : i32
        %scan3A_516 = arith.addi %scan3A_473, %scan3A_515 : i32
        %add3A_517 = arith.constant 600 : i32
        %add3A_518 = arith.addi %add3A_517, %scan3A_516 : i32
        %get3A_519 = arith.index_cast %add3A_518 : i32 to index
        %get3A_520 = arith.constant 0 : index
        %get3A_521 = tpu.vector_load %arg8[%get3A_519, %get3A_520] {strides = array<i32>} : memref<800x32xf32, #tpu.memory_space<vmem>>, vector<1x16xf32>,
        %get3A_522 = vector.shape_cast %get3A_521 : vector<1x16xf32> to vector<16xf32>
        %add3A_523 = arith.addf %add3A_509, %get3A_522 : vector<16xf32>
        %get3A_524 = arith.index_cast %add3A_518 : i32 to index
        %get3A_525 = arith.constant 16 : index
        %get3A_526 = tpu.vector_load %arg8[%get3A_524, %get3A_525] {strides = array<i32>} : memref<800x32xf32, #tpu.memory_space<vmem>>, vector<1x16xf32>,
        %get3A_527 = vector.shape_cast %get3A_526 : vector<1x16xf32> to vector<16xf32>
        %add3A_528 = arith.addf %add3A_514, %get3A_527 : vector<16xf32>
        %scan3A_529 = arith.constant 4 : i32
        %scan3A_530 = arith.addi %scan3A_473, %scan3A_529 : i32
        %add3A_531 = arith.constant 600 : i32
        %add3A_532 = arith.addi %add3A_531, %scan3A_530 : i32
        %get3A_533 = arith.index_cast %add3A_532 : i32 to index
        %get3A_534 = arith.constant 0 : index
        %get3A_535 = tpu.vector_load %arg8[%get3A_533, %get3A_534] {strides = array<i32>} : memref<800x32xf32, #tpu.memory_space<vmem>>, vector<1x16xf32>,
        %get3A_536 = vector.shape_cast %get3A_535 : vector<1x16xf32> to vector<16xf32>
        %add3A_537 = arith.addf %add3A_523, %get3A_536 : vector<16xf32>
        %get3A_538 = arith.index_cast %add3A_532 : i32 to index
        %get3A_539 = arith.constant 16 : index
        %get3A_540 = tpu.vector_load %arg8[%get3A_538, %get3A_539] {strides = array<i32>} : memref<800x32xf32, #tpu.memory_space<vmem>>, vector<1x16xf32>,
        %get3A_541 = vector.shape_cast %get3A_540 : vector<1x16xf32> to vector<16xf32>
        %add3A_542 = arith.addf %add3A_528, %get3A_541 : vector<16xf32>
        %scan3A_543 = arith.constant 5 : i32
        %scan3A_544 = arith.addi %scan3A_473, %scan3A_543 : i32
        %add3A_545 = arith.constant 600 : i32
        %add3A_546 = arith.addi %add3A_545, %scan3A_544 : i32
        %get3A_547 = arith.index_cast %add3A_546 : i32 to index
        %get3A_548 = arith.constant 0 : index
        %get3A_549 = tpu.vector_load %arg8[%get3A_547, %get3A_548] {strides = array<i32>} : memref<800x32xf32, #tpu.memory_space<vmem>>, vector<1x16xf32>,
        %get3A_550 = vector.shape_cast %get3A_549 : vector<1x16xf32> to vector<16xf32>
        %add3A_551 = arith.addf %add3A_537, %get3A_550 : vector<16xf32>
        %get3A_552 = arith.index_cast %add3A_546 : i32 to index
        %get3A_553 = arith.constant 16 : index
        %get3A_554 = tpu.vector_load %arg8[%get3A_552, %get3A_553] {strides = array<i32>} : memref<800x32xf32, #tpu.memory_space<vmem>>, vector<1x16xf32>,
        %get3A_555 = vector.shape_cast %get3A_554 : vector<1x16xf32> to vector<16xf32>
        %add3A_556 = arith.addf %add3A_542, %get3A_555 : vector<16xf32>
        %scan3A_557 = arith.constant 6 : i32
        %scan3A_558 = arith.addi %scan3A_473, %scan3A_557 : i32
        %add3A_559 = arith.constant 600 : i32
        %add3A_560 = arith.addi %add3A_559, %scan3A_558 : i32
        %get3A_561 = arith.index_cast %add3A_560 : i32 to index
        %get3A_562 = arith.constant 0 : index
        %get3A_563 = tpu.vector_load %arg8[%get3A_561, %get3A_562] {strides = array<i32>} : memref<800x32xf32, #tpu.memory_space<vmem>>, vector<1x16xf32>,
        %get3A_564 = vector.shape_cast %get3A_563 : vector<1x16xf32> to vector<16xf32>
        %add3A_565 = arith.addf %add3A_551, %get3A_564 : vector<16xf32>
        %get3A_566 = arith.index_cast %add3A_560 : i32 to index
        %get3A_567 = arith.constant 16 : index
        %get3A_568 = tpu.vector_load %arg8[%get3A_566, %get3A_567] {strides = array<i32>} : memref<800x32xf32, #tpu.memory_space<vmem>>, vector<1x16xf32>,
        %get3A_569 = vector.shape_cast %get3A_568 : vector<1x16xf32> to vector<16xf32>
        %add3A_570 = arith.addf %add3A_556, %get3A_569 : vector<16xf32>
        %scan3A_571 = arith.constant 7 : i32
        %scan3A_572 = arith.addi %scan3A_473, %scan3A_571 : i32
        %add3A_573 = arith.constant 600 : i32
        %add3A_574 = arith.addi %add3A_573, %scan3A_572 : i32
        %get3A_575 = arith.index_cast %add3A_574 : i32 to index
        %get3A_576 = arith.constant 0 : index
        %get3A_577 = tpu.vector_load %arg8[%get3A_575, %get3A_576] {strides = array<i32>} : memref<800x32xf32, #tpu.memory_space<vmem>>, vector<1x16xf32>,
        %get3A_578 = vector.shape_cast %get3A_577 : vector<1x16xf32> to vector<16xf32>
        %add3A_579 = arith.addf %add3A_565, %get3A_578 : vector<16xf32>
        %get3A_580 = arith.index_cast %add3A_574 : i32 to index
        %get3A_581 = arith.constant 16 : index
        %get3A_582 = tpu.vector_load %arg8[%get3A_580, %get3A_581] {strides = array<i32>} : memref<800x32xf32, #tpu.memory_space<vmem>>, vector<1x16xf32>,
        %get3A_583 = vector.shape_cast %get3A_582 : vector<1x16xf32> to vector<16xf32>
        %add3A_584 = arith.addf %add3A_570, %get3A_583 : vector<16xf32>
        scf.yield %add3A_579, %add3A_584 : vector<16xf32>, vector<16xf32>
      }
      %scan3A_458 = arith.constant 200 : i32
      %mul3A_459 = arith.constant 4 : i32
      %mul3A_460 = arith.muli %add3A_290, %mul3A_459 : i32
      %add3A_461 = arith.constant 3 : i32
      %add3A_462 = arith.addi %mul3A_460, %add3A_461 : i32
      %swap3A_463 = arith.index_cast %add3A_462 : i32 to index
      %swap3A_464 = arith.constant 0 : index
      %swap3A_465 = tpu.vector_load %arg9[%swap3A_463, %swap3A_464] {strides = array<i32>} : memref<512x32xf32, #tpu.memory_space<vmem>>, vector<1x16xf32>,
      %swap3A_466 = vector.shape_cast %swap3A_465 : vector<1x16xf32> to vector<16xf32>
      %swap3A_467 = vector.shape_cast %scan3A_457#0 : vector<16xf32> to vector<1x16xf32>
      tpu.vector_store %arg9[%swap3A_463, %swap3A_464], %swap3A_467 {strides = array<i32>} : memref<512x32xf32, #tpu.memory_space<vmem>>, vector<1x16xf32>,
      %swap3A_468 = arith.index_cast %add3A_462 : i32 to index
      %swap3A_469 = arith.constant 16 : index
      %swap3A_470 = tpu.vector_load %arg9[%swap3A_468, %swap3A_469] {strides = array<i32>} : memref<512x32xf32, #tpu.memory_space<vmem>>, vector<1x16xf32>,
      %swap3A_471 = vector.shape_cast %swap3A_470 : vector<1x16xf32> to vector<16xf32>
      %swap3A_472 = vector.shape_cast %scan3A_457#1 : vector<16xf32> to vector<1x16xf32>
      tpu.vector_store %arg9[%swap3A_468, %swap3A_469], %swap3A_472 {strides = array<i32>} : memref<512x32xf32, #tpu.memory_space<vmem>>, vector<1x16xf32>,
    }
    %scan3A_100 = arith.constant 64 : i32
    "tpu.region"() ({
      %run_scoped3A = tpu.sem_alloc : memref<!tpu.dma_semaphore, #tpu.memory_space<semaphore_mem>>
      %dma_start3A_101 = arith.constant 0 : i32
      %dma_start3A_102 = tpu.memref_slice %arg4[%mul3A_2, %dma_start3A_101] : memref<16384x32xf32, #tpu.memory_space<hbm>> -> memref<512x32xf32, #tpu.memory_space<hbm>>
      %dma_start3A_103 = arith.constant 0 : i32
      %dma_start3A_104 = tpu.memref_slice %arg4[%mul3A_2, %dma_start3A_103] : memref<16384x32xf32, #tpu.memory_space<hbm>> -> memref<512x32xf32, #tpu.memory_space<hbm>>
      tpu.enqueue_dma source(%arg9 : memref<512x32xf32, #tpu.memory_space<vmem>>) target(%dma_start3A_104 : memref<512x32xf32, #tpu.memory_space<hbm>>) target_semaphore(%run_scoped3A : memref<!tpu.dma_semaphore, #tpu.memory_space<semaphore_mem>>)
      %dma_wait3A_105 = arith.constant 0 : i32
      %dma_wait3A_106 = tpu.memref_slice %arg4[%mul3A_2, %dma_wait3A_105] : memref<16384x32xf32, #tpu.memory_space<hbm>> -> memref<512x32xf32, #tpu.memory_space<hbm>>
      %dma_wait3A_107 = arith.constant 0 : i32
      %dma_wait3A_108 = tpu.memref_slice %arg4[%mul3A_2, %dma_wait3A_107] : memref<16384x32xf32, #tpu.memory_space<hbm>> -> memref<512x32xf32, #tpu.memory_space<hbm>>
      tpu.wait_dma2 semaphore(%run_scoped3A : memref<!tpu.dma_semaphore, #tpu.memory_space<semaphore_mem>>) src(%arg9 : memref<512x32xf32, #tpu.memory_space<vmem>>) dst(%dma_wait3A_108 : memref<512x32xf32, #tpu.memory_space<hbm>>)
      tpu.yield
    }) : () -> ()
    return
  }
}

module attributes {stable_mosaic.version = 14 : i64} {
  func.func @_tc_head_body(%arg0: i32, %arg1: memref<2048x32xf32, #tpu.memory_space<vmem>>, %arg2: memref<2048x1xi32, #tpu.memory_space<vmem>>, %arg3: memref<64x32xf32, #tpu.memory_space<vmem>>, %arg4: memref<1x64xf32, #tpu.memory_space<vmem>>, %arg5: memref<2048x64xf32, #tpu.memory_space<vmem>>) attributes {dimension_semantics = [#tpu.dimension_semantics<arbitrary>], iteration_bounds = array<i64: 8>, scalar_prefetch = 0 : i64, scratch_operands = 0 : i64, tpu.core_type = #tpu.core_type<tc>, window_params = [{transform_indices = @transform_0, window_bounds = array<i64: 2048, 32>}, {transform_indices = @transform_1, window_bounds = array<i64: 2048, 1>}, {pipeline_mode = #tpu.pipeline_mode<synchronous>, transform_indices = @transform_2, window_bounds = array<i64: 64, 32>}, {pipeline_mode = #tpu.pipeline_mode<synchronous>, transform_indices = @transform_3, window_bounds = array<i64: 1, 64>}, {transform_indices = @transform_4, window_bounds = array<i64: 2048, 64>}]} {
    %get3A = arith.constant 0 : index
    %get3A_0 = arith.constant 0 : index
    %get3A_1 = vector.load %arg2[%get3A, %get3A_0] : memref<2048x1xi32, #tpu.memory_space<vmem>>, vector<2048x1xi32>
    %convert_element_type3A = arith.sitofp %get3A_1 : vector<2048x1xi32> to vector<2048x1xf32>
    %max3A = arith.constant 1.000000e+00 : f32
    %max3A_2 = vector.broadcast %max3A : f32 to vector<2048x1xf32>
    %max3A_3 = arith.maximumf %convert_element_type3A, %max3A_2 : vector<2048x1xf32>
    %get3A_4 = arith.constant 0 : index
    %get3A_5 = arith.constant 0 : index
    %get3A_6 = vector.load %arg1[%get3A_4, %get3A_5] : memref<2048x32xf32, #tpu.memory_space<vmem>>, vector<2048x32xf32>
    %div3A = vector.broadcast %max3A_3 : vector<2048x1xf32> to vector<2048x32xf32>
    %div3A_7 = arith.divf %get3A_6, %div3A : vector<2048x32xf32>
    %get3A_8 = arith.constant 0 : index
    %get3A_9 = arith.constant 0 : index
    %get3A_10 = vector.load %arg3[%get3A_8, %get3A_9] : memref<64x32xf32, #tpu.memory_space<vmem>>, vector<64x32xf32>
    %dot_general3A = arith.constant dense<0.000000e+00> : vector<2048x64xf32>
    %dot_general3A_11 = tpu.matmul %div3A_7, %get3A_10, %dot_general3A {dimension_numbers = #tpu.dot_dimension_numbers<[1], [1], [0], [0], [0, 0, 1, 0], [], []>, transpose_lhs_hint = false} : vector<2048x32xf32>, vector<64x32xf32>, vector<2048x64xf32> -> vector<2048x64xf32>
    %get3A_12 = arith.constant 0 : index
    %get3A_13 = arith.constant 0 : index
    %get3A_14 = vector.load %arg4[%get3A_12, %get3A_13] : memref<1x64xf32, #tpu.memory_space<vmem>>, vector<1x64xf32>
    %add3A = vector.broadcast %get3A_14 : vector<1x64xf32> to vector<2048x64xf32>
    %add3A_15 = arith.addf %dot_general3A_11, %add3A : vector<2048x64xf32>
    %swap3A = arith.constant 0 : index
    %swap3A_16 = arith.constant 0 : index
    %swap3A_17 = vector.load %arg5[%swap3A, %swap3A_16] : memref<2048x64xf32, #tpu.memory_space<vmem>>, vector<2048x64xf32>
    tpu.vector_store %arg5[%swap3A, %swap3A_16], %add3A_15 {strides = array<i32>} : memref<2048x64xf32, #tpu.memory_space<vmem>>, vector<2048x64xf32>,
    return
  }
  func.func @transform_0(%arg0: i32) -> (i32, i32) {
    %c0_i32 = arith.constant 0 : i32
    %c0_i32_0 = arith.constant 0 : i32
    return %arg0, %c0_i32 : i32, i32
  }
  func.func @transform_1(%arg0: i32) -> (i32, i32) {
    %c0_i32 = arith.constant 0 : i32
    %c0_i32_0 = arith.constant 0 : i32
    return %arg0, %c0_i32 : i32, i32
  }
  func.func @transform_2(%arg0: i32) -> (i32, i32) {
    %c0_i32 = arith.constant 0 : i32
    %c0_i32_0 = arith.constant 0 : i32
    %c0_i32_1 = arith.constant 0 : i32
    return %c0_i32, %c0_i32_0 : i32, i32
  }
  func.func @transform_3(%arg0: i32) -> (i32, i32) {
    %c0_i32 = arith.constant 0 : i32
    %c0_i32_0 = arith.constant 0 : i32
    %c0_i32_1 = arith.constant 0 : i32
    return %c0_i32, %c0_i32_0 : i32, i32
  }
  func.func @transform_4(%arg0: i32) -> (i32, i32) {
    %c0_i32 = arith.constant 0 : i32
    %c0_i32_0 = arith.constant 0 : i32
    return %arg0, %c0_i32 : i32, i32
  }
}

</mosaic_0001>

<sc_bundles>
// kernel: kernel.4.cloned.1.call-start
scs
__scs_entry_jumppad:
0x0: {  	(pc) =	sbr.rel $0x88, $3  }
0x1: {  	(tag) =	ssettag $0x0;
	lr =	simm.s32 $0x1  }
0x2: {  	[smem:$0x3F9C] =	sst lr;
	_ =	strace $0xD0000000  }
0x3: {  	_ = 	snop  }
0x4: {  	_ = 	snop  }
0x5: {  	_ = 	snop  }
0x6: {  	_ = 	snop  }
0x7: {  	_ = 	snop  }
__scs_overlays_trampoline_lowered:
0x8: {  	[smem:$0x3FAB] =	sst s0  }
0x9: {  	[smem:$0x3FAC] =	sst s1  }
0xa: {  	[smem:$0x3FAD] =	sst s2  }
0xb: {  	[smem:$0x3FAE] =	sst s3  }
0xc: {  	[smem:$0x3FAF] =	sst s4  }
0xd: {  	[smem:$0x3FB0] =	sst s5  }
0xe: {  	[smem:$0x3FB1] =	sst s6  }
0xf: {  	[smem:$0x3FB2] =	sst s7  }
0x10: {  	[smem:$0x3FB3] =	sst s8  }
0x11: {  	[smem:$0x3FB4] =	sst s9;
	s0 =	simm.s32 @!p0 $0x0  }
0x12: {  	s1 =	sld [smem:$0x3F9A];
	s0 =	simm.s32 @p0 $0x1  }
0x13: {  	[smem:$0x3FB5] =	sst s0;
	s0 =	simm.s32 @!p1 $0x0  }
0x14: {  	s2 =	sld [smem:$0x3F99];
	s0 =	simm.s32 @p1 $0x1  }
0x15: {  	[smem:$0x3FB6] =	sst s0;
	s0 =	simm.s32 @!p2 $0x0  }
0x16: {  	s3 =	sld [smem:$0x3FDB];
	s0 =	simm.s32 @p2 $0x1  }
0x17: {  	s4 =	simm.s32 $0x1BF5;
	[smem:$0x3FB8] =	sst s0  }
0x18: {  	s0 =	sld [smem:$0x3F9B];
	_ =	swait.ge [sflag:s4], $0x0  }
0x19: {  	s7 =	sld [smem:$0x3F9C]  }
0x1a: {  	s8 =	sadd.s32 $0xFFFFE003, lr  }
0x1b: {  	s9 =	sadd.s32 $0xFFFFFEF7, lr;
	s5 =	simm.s32 $0xFFFFFFFF;
	p2 =	slt.u32 s8, $0xFFFFF086  }
0x1c: {  	p1 =	slt.u32 s9, $0xF7A;
	s5 =	simm.s32 @!p2 $0x0  }
0x1d: {  	s5 =	simm.s32 @p1 $0x1;
	p0 =	seq.s32 s7, s2  }
0x1e: {  	s7 =	smul.u32 @!p0 $0xF7A, s2;
	p2 =	seq.s32 @!p0 s5, $0x0  }
0x1f: {  	s9 =	smul.u32 $0xF7A, s1;
	s8 =	simm.s32 @!p0 $0x1BF5;
	p2 =	por !p2, p0  }
0x20: {  	[sflag:s8] =	ssyncset.s32 @!p0 $0xFFFFF086;
	s6 =	sadd.s32 @!p0 s3, s7;
	s7 =	simm.s32 @!p0 $0x108  }
0x21: {  	s3 =	sadd.s32 s3, s9;
	s6 =	sadd.s32 @!p0 $0x88, s6;
	s7 =	simm.s32 @p2 $0x1082  }
0x22: {  	[simem:s7], [sflag:s8] =	dma.local @!p0 [hbm:s6], $0xF7A  }
0x23: {  	s9 =	sor.u32 $0xD0000000, s2;
	s6 =	simm.s32 $0x108;
	_ =	swait.ge @!p0 [sflag:s8], $0x0  }
0x24: {  	s3 =	sadd.s32 $0x88, s3;
	s6 =	simm.s32 @!p1 $0x1082;
	[sflag:s4] =	ssyncset.s32 $0xFFFFF086  }
0x25: {  	[simem:s6], [sflag:s4] =	dma.local [hbm:s3], $0xF7A  }
0x26: {  	[smem:$0x3F9C] =	sst s1;
	(tag) =	ssettag s2;
	_ =	strace s9  }
0x27: {  	s1 =	sld [smem:$0x3FAC]  }
0x28: {  	s2 =	sld [smem:$0x3FAD]  }
0x29: {  	s4 =	sld [smem:$0x3FAF]  }
0x2a: {  	p0 =	seq.s32 s5, $0x0;
	s5 =	sld [smem:$0x3FB0]  }
0x2b: {  	s6 =	sld [smem:$0x3FB1]  }
0x2c: {  	s7 =	sld [smem:$0x3FB2]  }
0x2d: {  	s3 =	simm.s32 $0x108;
	s8 =	sld [smem:$0x3FB3]  }
0x2e: {  	s3 =	simm.s32 @!p0 $0x1082;
	s9 =	sld [smem:$0x3FB4]  }
0x2f: {  	lr =	sadd.s32 s0, s3;
	s0 =	sld [smem:$0x3FAB]  }
0x30: {  	s3 =	sld [smem:$0x3FAE]  }
0x31: {  	[smem:$0x3FB7] =	sst s10  }
0x32: {  	s10 =	sld [smem:$0x3FB5];
	_ =	sdelay $0x3  }
0x33: {  	p0 =	seq.s32 s10, $0x1;
	s10 =	sld [smem:$0x3FB7];
	_ =	sdelay $0x3  }
0x34: {  	[smem:$0x3FB7] =	sst s10  }
0x35: {  	s10 =	sld [smem:$0x3FB6];
	_ =	sdelay $0x3  }
0x36: {  	p1 =	seq.s32 s10, $0x1;
	s10 =	sld [smem:$0x3FB7];
	_ =	sdelay $0x3  }
0x37: {  	[smem:$0x3FB7] =	sst s10  }
0x38: {  	s10 =	sld [smem:$0x3FB8]  }
0x39: {  	_ = 	snop;
	(pc) =	sbr.ind lr, $3  }
0x3a: {  	_ = 	snop  }
0x3b: {  	_ = 	snop  }
0x3c: {  	p2 =	seq.s32 s10, $0x1;
	s10 =	sld [smem:$0x3FB7]  }
0x3d: {  	_ =	shalt  }
0x3e: {  	_ =	shalt  }
0x3f: {  	_ =	shalt  }
0x40: {  	_ =	shalt  }
0x41: {  	_ =	shalt  }
0x42: {  	_ =	shalt  }
0x43: {  	_ =	shalt  }
0x44: {  	_ =	shalt  }
0x45: {  	_ =	shalt  }
0x46: {  	_ =	shalt  }
0x47: {  	_ =	shalt  }
0x48: {  	_ =	shalt  }
0x49: {  	_ =	shalt  }
0x4a: {  	_ =	shalt  }
0x4b: {  	_ =	shalt  }
0x4c: {  	_ =	shalt  }
0x4d: {  	_ =	shalt  }
0x4e: {  	_ =	shalt  }
0x4f: {  	_ =	shalt  }
0x50: {  	_ =	shalt  }
0x51: {  	_ =	shalt  }
0x52: {  	_ =	shalt  }
0x53: {  	_ =	shalt  }
0x54: {  	_ =	shalt  }
0x55: {  	_ =	shalt  }
0x56: {  	_ =	shalt  }
0x57: {  	_ =	shalt  }
0x58: {  	_ =	shalt  }
0x59: {  	_ =	shalt  }
0x5a: {  	_ =	shalt  }
0x5b: {  	_ =	shalt  }
0x5c: {  	_ =	shalt  }
0x5d: {  	_ =	shalt  }
0x5e: {  	_ =	shalt  }
0x5f: {  	_ =	shalt  }
0x60: {  	_ =	shalt  }
0x61: {  	_ =	shalt  }
0x62: {  	_ =	shalt  }
0x63: {  	_ =	shalt  }
0x64: {  	_ =	shalt  }
0x65: {  	_ =	shalt  }
0x66: {  	_ =	shalt  }
0x67: {  	_ =	shalt  }
0x68: {  	_ =	shalt  }
0x69: {  	_ =	shalt  }
0x6a: {  	_ =	shalt  }
0x6b: {  	_ =	shalt  }
0x6c: {  	_ =	shalt  }
0x6d: {  	_ =	shalt  }
0x6e: {  	_ =	shalt  }
0x6f: {  	_ =	shalt  }
0x70: {  	_ =	shalt  }
0x71: {  	_ =	shalt  }
0x72: {  	_ =	shalt  }
0x73: {  	_ =	shalt  }
0x74: {  	_ =	shalt  }
0x75: {  	_ =	shalt  }
0x76: {  	_ =	shalt  }
0x77: {  	_ =	shalt  }
0x78: {  	_ =	shalt  }
0x79: {  	_ =	shalt  }
0x7a: {  	_ =	shalt  }
0x7b: {  	_ =	shalt  }
0x7c: {  	_ =	shalt  }
0x7d: {  	_ =	shalt  }
0x7e: {  	_ =	shalt  }
0x7f: {  	_ =	shalt  }
0x80: {  	_ =	shalt  }
0x81: {  	_ =	shalt  }
0x82: {  	_ =	shalt  }
0x83: {  	_ =	shalt  }
0x84: {  	_ =	shalt  }
0x85: {  	_ =	shalt  }
0x86: {  	_ =	shalt  }
0x87: {  	_ =	shalt  }
.Lfunc_end0:
.L_simem_size_0:
called_computation_lowered:
.L_overlay_start_0:
0x88: {  	s2 =	sld [smem:$0x3FD9]  }
0x89: {  	s3 =	sld [smem:$0x3FFE];
	_ =	sdelay $0x1  }
0x8a: {  	s1 =	srdreg.scid  }
0x8b: {  	s0 =	sand.u32 $0x1, s1  }
0x8c: {  	s17 =	sshll.u32 s0, $0xA;
	s2 =	sadd.s32 s3, s2  }
0x8d: {  	s2 =	sadd.s32 s2, s17  }
0x8e: {  	[smem:$0x3FC3] =	sst s2  }
0x8f: {  	_ = 	snop  }
0x90: {  	s2 =	sld [smem:$0x3FD0];
	(tm) =	ssettm $0x1  }
0x91: {  	s18 =	sld [smem:$0x3FFB];
	_ =	sdelay $0x3  }
0x92: {  	_ =	strace s18  }
0x93: {  	s3 =	sld [smem:$0x3FFC];
	_ =	sdelay $0x3  }
0x94: {  	_ =	strace s3  }
0x95: {  	s3 =	sld [smem:$0x3FFD];
	_ =	sdelay $0x3  }
0x96: {  	_ =	strace s3  }
0x97: {  	_ =	strace $0x8FFFFFFF  }
0x98: {  	s19 =	sld [smem:$0x3FDB];
	_ =	sdelay $0x1  }
0x99: {  	s4 =	simm.s32 $_scs_section_size  }
0x9a: {  	s5 =	simm.s32 $_size__tile_overlayer_lowered;
	s6 =	simm.s32 $_tile_overlayer_lowered  }
0x9b: {  	s22 =	simm.s32 $0x1BFF;
	s21 =	sshll.u32 s6, $0x1;
	s3 =	sadd.s32 s4, s19  }
0x9c: {  	s7 =	simm.s32 $0x0;
	s20 =	sshll.u32 s5, $0x1;
	s5 =	sadd.s32 s21, s3  }
0x9d: {  	[timem:s7], [sflag:s22] =	dma.local [hbm:s5], s20  }
0x9e: {  	_ =	swait.ge [sflag:s22], s20  }
0x9f: {  	s4 =	ssub.s32 $0x0, s20;
	[sflag:s22] =	ssyncset.done $0x0  }
0xa0: {  	[sflag:s22] =	ssyncadd.s32 s4;
	_ =	sdelay $0x1  }
0xa1: {  	s23 =	simm.s32 $0x1B8B  }
0xa2: {  	_ =	swait.ge [sflag:s23], $0x1  }
0xa3: {  	[sflag:s23] =	ssyncset.done $0x0  }
0xa4: {  	s25 =	simm.s32 $0x1B8E;
	s24 =	sld [smem:$0x3FFE];
	[sflag:s23] =	ssyncadd.s32 $0xFFFFFFFF  }
0xa5: {  	s26 =	simm.s32 $execute0_lowered;
	[smem:$0x3FD2] =	sst s25  }
0xa6: {  	s5 =	sshll.u32 s26, $0x1;
	_ =	strace $0x80000046;
	[dreg:$0x1] =	wrdreg $0xFFFFFFFF  }
0xa7: {  	s28 =	simm.s32 $_size_execute0_lowered;
	s3 =	sadd.s32 s3, s5;
	[dreg:$0x0] =	wrdreg $0x0  }
0xa8: {  	s5 =	sshll.u32 s28, $0x1;
	[dreg:$0x2] =	wrdreg s3  }
0xa9: {  	[dreg:$0x3] =	wrdreg s5  }
0xaa: {  	[dreg:$0x4] =	wrdreg $0xC0  }
0xab: {  	_ =	task [dreg:s7], $0x5FFFF  }
0xac: {  	[dreg:$0x1] =	wrdreg $0xFFFFFFFF  }
0xad: {  	[dreg:$0x0] =	wrdreg $0x60  }
0xae: {  	[dreg:$0x2] =	wrdreg s24  }
0xaf: {  	[dreg:$0x3] =	wrdreg s2  }
0xb0: {  	[dreg:$0x4] =	wrdreg $0x9  }
0xb1: {  	_ =	task.clear_ibuf [dreg:s7], $0x5FFFF;
	_ =	strace $0x90000046  }
0xb2: {  	s29 =	simm.s32 $0x9;
	_ =	strace $0x80000048  }
0xb3: {  	_ =	swait.ge [sflag:s29], $0x1  }
0xb4: {  	[sflag:s29] =	ssyncadd.s32 $0xFFFFFFFF  }
0xb5: {  	_ =	strace $0x90000048  }
0xb6: {  	_ =	sfence  }
0xb7: {  	s30 =	sld [smem:$0x0];
	_ =	sdelay $0x2  }
0xb8: {  	s31 =	sshll.u32 s1, $0xD;
	s1 =	sshrl.u32 s1, $0x2  }
0xb9: {  	s3 =	sand.u32 $0x4000, s31;
	s1 =	sadd.s32 s1, s30  }
0xba: {  	s0 =	sor.u32 s3, s0;
	s1 =	sshll.u32 s1, $0x11  }
0xbb: {  	s0 =	sor.u32 s1, s0  }
0xbc: {  	s0 =	sadd.s32 $0x8F2B, s0  }
0xbd: {  	[sflag:s0] =	ssyncadd.remote.s32 $0x1  }
0xbe: {  	_ =	sfence.sel $0xFFFF  }
0xbf: {  	[dreg:$0x0] =	wrdreg $0xFFFFFFFF;
	(pc) =	sbr.abs _section_cstart, $3  }
0xc0: {  	[dreg:$0x1] =	wrdreg $0xFFFFFFFF  }
0xc1: {  	_ =	task.clear_ibuf [dreg:s7], $0x2FFFF;
	_ =	strace $0x9FFFFFFF  }
0xc2: {  	(tm) =	ssettm $0x7FFFFFFF  }
0xc3: {  	_ =	shalt  }
tec
execute0_lowered:
.L_overlay_start_1:
0x0: {  	(tag) =	ssettag $0x1  }
0x1: {  	s0 =	srdreg.scid  }
0x2: {  	s1 =	rddreg [dreg:$0x0];
	s3 =	stileid.u32  }
0x3: {  	s2 =	rddreg [dreg:$0x1];
	s9 =	simm.s32 $0x0;
	s11 =	simm.s32 $0x320  }
0x4: {  	s13 =	simm.s32 $0x80;
	s15 =	simm.s32 $0x48;
	s30 =	simm.s32 $0x4  }
0x5: {  	s14 =	simm.s32 $0x3E8;
	s16 =	simm.s32 $0x8340;
	s17 =	simm.s32 $0x468  }
0x6: {  	s18 =	simm.s32 $0x9340;
	s19 =	simm.s32 $0x4B0;
	s20 =	simm.s32 $0x9C40  }
0x7: {  	s21 =	simm.s32 $0x530;
	s22 =	simm.s32 $0xAC40;
	s23 =	simm.s32 $0x578  }
0x8: {  	s24 =	simm.s32 $0xB540;
	s25 =	simm.s32 $0x5F8;
	s28 =	simm.s32 $0x1  }
0x9: {  	s29 =	simm.s32 $0x2;
	s0 =	sand.u32 $0x1, s0;
	s3 =	sshll.u32 s3, $0xA  }
0xa: {  	[smem:$0x7FF] =	sst s9;
	s4 =	sshll.u32 s0, $0x9;
	s0 =	ssub.s32 $0x2, s0  }
0xb: {  	_ =	strace $0x80000047;
	s5 =	sor.u32 s4, s3;
	s7 =	sshrl.u32 s0, $0x1  }
0xc: {  	s3 =	sadd.s32 $0xC00, s1;
	s6 =	smul.u32 $0x19, s5;
	s0 =	ssub.s32 s0, s7  }
0xd: {  	s4 =	sadd.s32 $0xF43000, s1;
	s7 =	sor.u32 $0x8, s5;
	s0 =	smax.u32 s0, $0x1  }
0xe: {  	s31 =	sshll.u32 s5, $0x2;
	s26 =	sadd.s32 s3, s6;
	[dreg:$0x6] =	wrdreg s0  }
0xf: {  	s8 =	sor.u32 $0xC, s5;
	[dreg:$0x3] =	wrdreg s26;
	s1 =	sadd.s32 $0x64, s26  }
0x10: {  	s5 =	simm.s32 $0x0;
	[dreg:$0x4] =	wrdreg s1;
	s1 =	sadd.s32 s2, s31  }
0x11: {  	s0 =	simm.s32 $0x7A40;
	s26 =	simm.s32 $0xC540;
	[dreg:$0x5] =	wrdreg s1  }
.LBB2_1:
0x12: {  	[dreg:$0x7] =	wrdreg s5  }
0x13: {  	s1 =	rddreg [dreg:$0x3]  }
0x14: {  	[tilespmem:s9], [sflag:$0x3] =	stream.linear.gather [hbm4b:s1+s9], $0x320, $0x38;
	[tilespmem:$0x10E40] =	vst v63  }
0x15: {  	s12 =	rddreg [dreg:$0x4];
	s31 =	simm.s32 $0x3  }
0x16: {  	[tilespmem:s11], [sflag:$0x4] =	stream.linear.gather [hbm4b:s12+s9], $0x320, $0x38;
	[tilespmem:$0x10E40] =	vst v63  }
0x17: {  	_ =	swait.ge [sflag:s31], $0x320  }
0x18: {  	[sflag:s31] =	ssyncset.done $0x0  }
0x19: {  	s2 =	simm.s32 $0x640;
	[sflag:s31] =	ssyncadd.s32 $0xFFFFFCE0  }
0x1a: {  	[tilespmem:s2], [sflag:$0x1] =	stream.indirect.gather [hbm4b:s4+s13], $0x20, s9, s13, $0xb8;
	[tilespmem:$0x10E40] =	vst v63  }
0x1b: {  	s5 =	simm.s32 $0x1640  }
0x1c: {  	[tilespmem:s5], [sflag:$0x1] =	stream.indirect.gather [hbm4b:s4+s15], $0x20, s13, s15, $0xb8;
	[tilespmem:$0x10E40] =	vst v63  }
0x1d: {  	s6 =	simm.s32 $0xC8;
	s2 =	simm.s32 $0x1F40  }
0x1e: {  	[tilespmem:s2], [sflag:$0x1] =	stream.indirect.gather [hbm4b:s4+s13], $0x20, s6, s13, $0xb8;
	[tilespmem:$0x10E40] =	vst v63  }
0x1f: {  	s10 =	simm.s32 $0x2F40;
	s9 =	simm.s32 $0x148  }
0x20: {  	[tilespmem:s10], [sflag:$0x1] =	stream.indirect.gather [hbm4b:s4+s15], $0x20, s9, s15, $0xb8;
	[tilespmem:$0x10E40] =	vst v63  }
0x21: {  	s12 =	simm.s32 $0x190;
	s31 =	simm.s32 $0x3840  }
0x22: {  	[tilespmem:s31], [sflag:$0x1] =	stream.indirect.gather [hbm4b:s4+s13], $0x20, s12, s13, $0xb8;
	[tilespmem:$0x10E40] =	vst v63  }
0x23: {  	s5 =	simm.s32 $0x210;
	s6 =	simm.s32 $0x4840  }
0x24: {  	[tilespmem:s6], [sflag:$0x1] =	stream.indirect.gather [hbm4b:s4+s15], $0x20, s5, s15, $0xb8;
	[tilespmem:$0x10E40] =	vst v63  }
0x25: {  	s9 =	simm.s32 $0x258;
	s10 =	simm.s32 $0x5140  }
0x26: {  	[tilespmem:s10], [sflag:$0x1] =	stream.indirect.gather [hbm4b:s4+s13], $0x20, s9, s13, $0xb8;
	[tilespmem:$0x10E40] =	vst v63  }
0x27: {  	s12 =	simm.s32 $0x2D8;
	s31 =	simm.s32 $0x6140;
	s10 =	simm.s32 $0x0  }
0x28: {  	[tilespmem:s31], [sflag:$0x1] =	stream.indirect.gather [hbm4b:s4+s15], $0x20, s12, s15, $0xb8;
	[tilespmem:$0x10E40] =	vst v63  }
.LBB2_2:
0x29: {  	_ =	swait.ge [sflag:s30], $0x320  }
0x2a: {  	[sflag:s30] =	ssyncset.done $0x0  }
0x2b: {  	s1 =	simm.s32 $0x6A40;
	[sflag:s30] =	ssyncadd.s32 $0xFFFFFCE0  }
0x2c: {  	[tilespmem:s1], [sflag:$0x2] =	stream.indirect.gather [hbm4b:s4+s13], $0x20, s11, s13, $0xb8;
	[tilespmem:$0x10E40] =	vst v63  }
0x2d: {  	s12 =	simm.s32 $0x3A0  }
0x2e: {  	[tilespmem:s0], [sflag:$0x2] =	stream.indirect.gather [hbm4b:s4+s15], $0x20, s12, s15, $0xb8;
	[tilespmem:$0x10E40] =	vst v63  }
0x2f: {  	_ = 	snop  }
0x30: {  	[tilespmem:s16], [sflag:$0x2] =	stream.indirect.gather [hbm4b:s4+s13], $0x20, s14, s13, $0xb8;
	[tilespmem:$0x10E40] =	vst v63  }
0x31: {  	_ = 	snop  }
0x32: {  	[tilespmem:s18], [sflag:$0x2] =	stream.indirect.gather [hbm4b:s4+s15], $0x20, s17, s15, $0xb8;
	[tilespmem:$0x10E40] =	vst v63  }
0x33: {  	_ = 	snop  }
0x34: {  	[tilespmem:s20], [sflag:$0x2] =	stream.indirect.gather [hbm4b:s4+s13], $0x20, s19, s13, $0xb8;
	[tilespmem:$0x10E40] =	vst v63  }
0x35: {  	_ = 	snop  }
0x36: {  	[tilespmem:s22], [sflag:$0x2] =	stream.indirect.gather [hbm4b:s4+s15], $0x20, s21, s15, $0xb8;
	[tilespmem:$0x10E40] =	vst v63  }
0x37: {  	_ = 	snop  }
0x38: {  	[tilespmem:s24], [sflag:$0x2] =	stream.indirect.gather [hbm4b:s4+s13], $0x20, s23, s13, $0xb8;
	[tilespmem:$0x10E40] =	vst v63  }
0x39: {  	_ = 	snop  }
0x3a: {  	[tilespmem:s26], [sflag:$0x2] =	stream.indirect.gather [hbm4b:s4+s15], $0x20, s25, s15, $0xb8;
	[tilespmem:$0x10E40] =	vst v63  }
0x3b: {  	_ =	swait.ge [sflag:s28], $0x1000  }
0x3c: {  	[sflag:s28] =	ssyncset.done $0x0  }
0x3d: {  	[sflag:s28] =	ssyncadd.s32 $0xFFFFF000  }
0x3e: {  	_ =	swait.ge [sflag:s28], $0x900  }
0x3f: {  	[sflag:s28] =	ssyncset.done $0x0  }
0x40: {  	[sflag:s28] =	ssyncadd.s32 $0xFFFFF700  }
0x41: {  	_ =	swait.ge [sflag:s28], $0x1000  }
0x42: {  	[sflag:s28] =	ssyncset.done $0x0  }
0x43: {  	[sflag:s28] =	ssyncadd.s32 $0xFFFFF000  }
0x44: {  	_ =	swait.ge [sflag:s28], $0x900  }
0x45: {  	[sflag:s28] =	ssyncset.done $0x0  }
0x46: {  	[sflag:s28] =	ssyncadd.s32 $0xFFFFF700  }
0x47: {  	_ =	swait.ge [sflag:s28], $0x1000  }
0x48: {  	[sflag:s28] =	ssyncset.done $0x0  }
0x49: {  	[sflag:s28] =	ssyncadd.s32 $0xFFFFF000  }
0x4a: {  	_ =	swait.ge [sflag:s28], $0x900  }
0x4b: {  	[sflag:s28] =	ssyncset.done $0x0  }
0x4c: {  	[sflag:s28] =	ssyncadd.s32 $0xFFFFF700  }
0x4d: {  	p0 =	seq.s32 s10, $0x3F;
	_ =	swait.ge [sflag:s28], $0x1000  }
0x4e: {  	s12 =	sshll.u32 @!p0 s10, $0x3;
	[sflag:s28] =	ssyncset.done $0x0  }
0x4f: {  	s2 =	sadd.s32 @!p0 s12, s7;
	[sflag:s28] =	ssyncadd.s32 $0xFFFFF000  }
0x50: {  	s2 =	smul.u32 @!p0 $0x19, s2;
	_ =	swait.ge [sflag:s28], $0x900  }
0x51: {  	s31 =	simm.s32 $0x6C0;
	[sflag:s28] =	ssyncset.done $0x0  }
0x52: {  	s5 =	simm.s32 @!p0 $0x0;
	s2 =	sadd.s32 @!p0 s3, s2;
	[sflag:s28] =	ssyncadd.s32 $0xFFFFF700  }
0x53: {  	[tilespmem:s5], [sflag:$0x3] =	stream.linear.gather @!p0 [hbm4b:s2+s5], $0x320, $0x38;
	[tilespmem:$0x10E40] =	vst v63  }
0x54: {  	v0 =	vld [tilespmem:s31+$0xFFFFFF80]  }
0x55: {  	v1 =	vld [tilespmem:s31+$0xFFFFFF90]  }
0x56: {  	v2 =	vld [tilespmem:s31+$0xFFFFFFA0]  }
0x57: {  	v3 =	vld [tilespmem:s31+$0xFFFFFFB0]  }
0x58: {  	v4 =	vld [tilespmem:s31+$0xFFFFFFC0]  }
0x59: {  	v6 =	vimm.f32 $0.0e+00;
	v5 =	vld [tilespmem:s31+$0xFFFFFFD0]  }
0x5a: {  	v7 =	vld [tilespmem:s31+$0xFFFFFFE0];
	v0 =	vadd.f32 v0, v6;
	v1 =	vadd.f32 v1, v6  }
0x5b: {  	v6 =	vld [tilespmem:s31+$0xFFFFFFF0]  }
0x5c: {  	v8 =	vld [tilespmem:s31+$0x0];
	v2 =	vadd.f32 v2, v0;
	v1 =	vadd.f32 v3, v1  }
0x5d: {  	v9 =	vld [tilespmem:s31+$0x10]  }
0x5e: {  	v0 =	vld [tilespmem:s31+$0x20];
	v2 =	vadd.f32 v4, v2;
	v4 =	vadd.f32 v5, v1  }
0x5f: {  	v3 =	vld [tilespmem:s31+$0x30]  }
0x60: {  	v1 =	vld [tilespmem:s31+$0x40];
	v5 =	vadd.f32 v7, v2;
	v7 =	vadd.f32 v6, v4  }
0x61: {  	v4 =	vld [tilespmem:s31+$0x50]  }
0x62: {  	v2 =	vld [tilespmem:s31+$0x60];
	v6 =	vadd.f32 v8, v5;
	v7 =	vadd.f32 v9, v7  }
0x63: {  	s6 =	simm.s32 $0x7C0;
	s5 =	simm.s32 $0x0;
	v5 =	vld [tilespmem:s31+$0x70]  }
.LBB2_3:
0x64: {  	v8 =	vld [tilespmem:s6+$0xFFFFFF80];
	v0 =	vadd.f32 v0, v6;
	v3 =	vadd.f32 v3, v7  }
0x65: {  	s5 =	sadd.s32 $0x8, s5;
	v6 =	vld [tilespmem:s6+$0xFFFFFF90]  }
0x66: {  	p1 =	slt.u32 s5, $0xC0;
	v7 =	vld [tilespmem:s6+$0xFFFFFFA0];
	v0 =	vadd.f32 v1, v0;
	v1 =	vadd.f32 v4, v3  }
0x67: {  	v3 =	vld [tilespmem:s6+$0xFFFFFFB0]  }
0x68: {  	v4 =	vld [tilespmem:s6+$0xFFFFFFC0];
	v0 =	vadd.f32 v2, v0;
	v1 =	vadd.f32 v5, v1  }
0x69: {  	v2 =	vld [tilespmem:s6+$0xFFFFFFD0]  }
0x6a: {  	v0 =	vadd.f32 v8, v0;
	v1 =	vadd.f32 v6, v1;
	v5 =	vld [tilespmem:s6+$0xFFFFFFE0]  }
0x6b: {  	v6 =	vld [tilespmem:s6+$0xFFFFFFF0]  }
0x6c: {  	v0 =	vadd.f32 v7, v0;
	v1 =	vadd.f32 v3, v1;
	v7 =	vld [tilespmem:s6+$0x0]  }
0x6d: {  	v8 =	vld [tilespmem:s6+$0x10]  }
0x6e: {  	v4 =	vadd.f32 v4, v0;
	v1 =	vadd.f32 v2, v1;
	v0 =	vld [tilespmem:s6+$0x20]  }
.Ltmp0:
0x6f: {  	v3 =	vld [tilespmem:s6+$0x30];
	(pc) =	sbr.rel @p1 .LBB2_3-.Ltmp0, $4  }
0x70: {  	v2 =	vadd.f32 v5, v4;
	v5 =	vadd.f32 v6, v1;
	v1 =	vld [tilespmem:s6+$0x40]  }
0x71: {  	v4 =	vld [tilespmem:s6+$0x50]  }
0x72: {  	v6 =	vadd.f32 v7, v2;
	v7 =	vadd.f32 v8, v5;
	v2 =	vld [tilespmem:s6+$0x60]  }
0x73: {  	v5 =	vld [tilespmem:s6+$0x70];
	s6 =	sadd.s32 $0x100, s6  }
0x74: {  	v0 =	vadd.f32 v0, v6  }
0x75: {  	v3 =	vadd.f32 v3, v7  }
0x76: {  	v0 =	vadd.f32 v1, v0  }
0x77: {  	v1 =	vadd.f32 v4, v3  }
0x78: {  	s2 =	sshll.u32 s10, $0x8;
	v0 =	vadd.f32 v2, v0  }
0x79: {  	s5 =	sand.u32 $0x3FFFFF00, s2;
	v1 =	vadd.f32 v5, v1  }
0x7a: {  	[tilespmem:s5+$0xCE40] =	vst v0  }
0x7b: {  	s31 =	simm.s32 $0x2030;
	[tilespmem:s5+$0xCE50] =	vst v1  }
0x7c: {  	v0 =	vld [tilespmem:s31+$0xFFFFFF10]  }
0x7d: {  	v1 =	vld [tilespmem:s31+$0xFFFFFF20]  }
0x7e: {  	v2 =	vld [tilespmem:s31+$0xFFFFFF30]  }
0x7f: {  	v3 =	vld [tilespmem:s31+$0xFFFFFF40]  }
0x80: {  	v4 =	vld [tilespmem:s31+$0xFFFFFF50]  }
0x81: {  	v6 =	vimm.f32 $0.0e+00;
	v5 =	vld [tilespmem:s31+$0xFFFFFF60]  }
0x82: {  	v7 =	vld [tilespmem:s31+$0xFFFFFF70];
	v0 =	vadd.f32 v0, v6;
	v1 =	vadd.f32 v1, v6  }
0x83: {  	v6 =	vld [tilespmem:s31+$0xFFFFFF80]  }
0x84: {  	v8 =	vld [tilespmem:s31+$0xFFFFFF90];
	v2 =	vadd.f32 v2, v0;
	v1 =	vadd.f32 v3, v1  }
0x85: {  	v9 =	vld [tilespmem:s31+$0xFFFFFFA0]  }
0x86: {  	v0 =	vld [tilespmem:s31+$0xFFFFFFB0];
	v2 =	vadd.f32 v4, v2;
	v4 =	vadd.f32 v5, v1  }
0x87: {  	v3 =	vld [tilespmem:s31+$0xFFFFFFC0]  }
0x88: {  	v1 =	vld [tilespmem:s31+$0xFFFFFFD0];
	v5 =	vadd.f32 v7, v2;
	v7 =	vadd.f32 v6, v4  }
0x89: {  	v4 =	vld [tilespmem:s31+$0xFFFFFFE0]  }
0x8a: {  	v2 =	vld [tilespmem:s31+$0xFFFFFFF0];
	v6 =	vadd.f32 v8, v5;
	v7 =	vadd.f32 v9, v7  }
0x8b: {  	s6 =	simm.s32 $0x0;
	s2 =	simm.s32 $0x2130;
	v5 =	vld [tilespmem:s31+$0x0]  }
.LBB2_5:
0x8c: {  	v8 =	vld [tilespmem:s2+$0xFFFFFF10];
	v0 =	vadd.f32 v0, v6;
	v3 =	vadd.f32 v3, v7  }
0x8d: {  	s6 =	sadd.s32 $0x8, s6;
	v6 =	vld [tilespmem:s2+$0xFFFFFF20]  }
0x8e: {  	p1 =	slt.u32 s6, $0xC0;
	v7 =	vld [tilespmem:s2+$0xFFFFFF30];
	v0 =	vadd.f32 v1, v0;
	v1 =	vadd.f32 v4, v3  }
0x8f: {  	v3 =	vld [tilespmem:s2+$0xFFFFFF40]  }
0x90: {  	v4 =	vld [tilespmem:s2+$0xFFFFFF50];
	v0 =	vadd.f32 v2, v0;
	v1 =	vadd.f32 v5, v1  }
0x91: {  	v2 =	vld [tilespmem:s2+$0xFFFFFF60]  }
0x92: {  	v0 =	vadd.f32 v8, v0;
	v1 =	vadd.f32 v6, v1;
	v5 =	vld [tilespmem:s2+$0xFFFFFF70]  }
0x93: {  	v6 =	vld [tilespmem:s2+$0xFFFFFF80]  }
0x94: {  	v0 =	vadd.f32 v7, v0;
	v1 =	vadd.f32 v3, v1;
	v7 =	vld [tilespmem:s2+$0xFFFFFF90]  }
0x95: {  	v8 =	vld [tilespmem:s2+$0xFFFFFFA0]  }
0x96: {  	v4 =	vadd.f32 v4, v0;
	v1 =	vadd.f32 v2, v1;
	v0 =	vld [tilespmem:s2+$0xFFFFFFB0]  }
.Ltmp1:
0x97: {  	v3 =	vld [tilespmem:s2+$0xFFFFFFC0];
	(pc) =	sbr.rel @p1 .LBB2_5-.Ltmp1, $4  }
0x98: {  	v2 =	vadd.f32 v5, v4;
	v5 =	vadd.f32 v6, v1;
	v1 =	vld [tilespmem:s2+$0xFFFFFFD0]  }
0x99: {  	v4 =	vld [tilespmem:s2+$0xFFFFFFE0]  }
0x9a: {  	v6 =	vadd.f32 v7, v2;
	v7 =	vadd.f32 v8, v5;
	v2 =	vld [tilespmem:s2+$0xFFFFFFF0]  }
0x9b: {  	v5 =	vld [tilespmem:s2+$0x0];
	s2 =	sadd.s32 $0x100, s2  }
0x9c: {  	v0 =	vadd.f32 v0, v6  }
0x9d: {  	v3 =	vadd.f32 v3, v7  }
0x9e: {  	v0 =	vadd.f32 v1, v0  }
0x9f: {  	v1 =	vadd.f32 v4, v3  }
0xa0: {  	v0 =	vadd.f32 v2, v0  }
0xa1: {  	v1 =	vadd.f32 v5, v1  }
0xa2: {  	[tilespmem:s5+$0xCE60] =	vst v0  }
0xa3: {  	s2 =	simm.s32 $0x3930;
	[tilespmem:s5+$0xCE70] =	vst v1  }
0xa4: {  	v0 =	vld [tilespmem:s2+$0xFFFFFF10]  }
0xa5: {  	v1 =	vld [tilespmem:s2+$0xFFFFFF20]  }
0xa6: {  	v2 =	vld [tilespmem:s2+$0xFFFFFF30]  }
0xa7: {  	v3 =	vld [tilespmem:s2+$0xFFFFFF40]  }
0xa8: {  	v4 =	vld [tilespmem:s2+$0xFFFFFF50]  }
0xa9: {  	v6 =	vimm.f32 $0.0e+00;
	v5 =	vld [tilespmem:s2+$0xFFFFFF60]  }
0xaa: {  	v7 =	vld [tilespmem:s2+$0xFFFFFF70];
	v0 =	vadd.f32 v0, v6;
	v1 =	vadd.f32 v1, v6  }
0xab: {  	v6 =	vld [tilespmem:s2+$0xFFFFFF80]  }
0xac: {  	v8 =	vld [tilespmem:s2+$0xFFFFFF90];
	v2 =	vadd.f32 v2, v0;
	v1 =	vadd.f32 v3, v1  }
0xad: {  	v9 =	vld [tilespmem:s2+$0xFFFFFFA0]  }
0xae: {  	v0 =	vld [tilespmem:s2+$0xFFFFFFB0];
	v2 =	vadd.f32 v4, v2;
	v4 =	vadd.f32 v5, v1  }
0xaf: {  	v3 =	vld [tilespmem:s2+$0xFFFFFFC0]  }
0xb0: {  	v1 =	vld [tilespmem:s2+$0xFFFFFFD0];
	v5 =	vadd.f32 v7, v2;
	v7 =	vadd.f32 v6, v4  }
0xb1: {  	v4 =	vld [tilespmem:s2+$0xFFFFFFE0]  }
0xb2: {  	v2 =	vld [tilespmem:s2+$0xFFFFFFF0];
	v6 =	vadd.f32 v8, v5;
	v7 =	vadd.f32 v9, v7  }
0xb3: {  	s6 =	simm.s32 $0x0;
	v5 =	vld [tilespmem:s2+$0x0];
	s2 =	simm.s32 $0x3A30  }
.LBB2_7:
0xb4: {  	v8 =	vld [tilespmem:s2+$0xFFFFFF10];
	v0 =	vadd.f32 v0, v6;
	v3 =	vadd.f32 v3, v7  }
0xb5: {  	s6 =	sadd.s32 $0x8, s6;
	v6 =	vld [tilespmem:s2+$0xFFFFFF20]  }
0xb6: {  	p1 =	slt.u32 s6, $0xC0;
	v7 =	vld [tilespmem:s2+$0xFFFFFF30];
	v0 =	vadd.f32 v1, v0;
	v1 =	vadd.f32 v4, v3  }
0xb7: {  	v3 =	vld [tilespmem:s2+$0xFFFFFF40]  }
0xb8: {  	v4 =	vld [tilespmem:s2+$0xFFFFFF50];
	v0 =	vadd.f32 v2, v0;
	v1 =	vadd.f32 v5, v1  }
0xb9: {  	v2 =	vld [tilespmem:s2+$0xFFFFFF60]  }
0xba: {  	v0 =	vadd.f32 v8, v0;
	v1 =	vadd.f32 v6, v1;
	v5 =	vld [tilespmem:s2+$0xFFFFFF70]  }
0xbb: {  	v6 =	vld [tilespmem:s2+$0xFFFFFF80]  }
0xbc: {  	v0 =	vadd.f32 v7, v0;
	v1 =	vadd.f32 v3, v1;
	v7 =	vld [tilespmem:s2+$0xFFFFFF90]  }
0xbd: {  	v8 =	vld [tilespmem:s2+$0xFFFFFFA0]  }
0xbe: {  	v4 =	vadd.f32 v4, v0;
	v1 =	vadd.f32 v2, v1;
	v0 =	vld [tilespmem:s2+$0xFFFFFFB0]  }
.Ltmp2:
0xbf: {  	v3 =	vld [tilespmem:s2+$0xFFFFFFC0];
	(pc) =	sbr.rel @p1 .LBB2_7-.Ltmp2, $4  }
0xc0: {  	v2 =	vadd.f32 v5, v4;
	v5 =	vadd.f32 v6, v1;
	v1 =	vld [tilespmem:s2+$0xFFFFFFD0]  }
0xc1: {  	v4 =	vld [tilespmem:s2+$0xFFFFFFE0]  }
0xc2: {  	v6 =	vadd.f32 v7, v2;
	v7 =	vadd.f32 v8, v5;
	v2 =	vld [tilespmem:s2+$0xFFFFFFF0]  }
0xc3: {  	v5 =	vld [tilespmem:s2+$0x0];
	s2 =	sadd.s32 $0x100, s2  }
0xc4: {  	v0 =	vadd.f32 v0, v6  }
0xc5: {  	v3 =	vadd.f32 v3, v7  }
0xc6: {  	v0 =	vadd.f32 v1, v0  }
0xc7: {  	v1 =	vadd.f32 v4, v3  }
0xc8: {  	v0 =	vadd.f32 v2, v0  }
0xc9: {  	v1 =	vadd.f32 v5, v1  }
0xca: {  	[tilespmem:s5+$0xCE80] =	vst v0  }
0xcb: {  	s2 =	simm.s32 $0x5140;
	[tilespmem:s5+$0xCE90] =	vst v1  }
0xcc: {  	v0 =	vld [tilespmem:s2+$0x0]  }
0xcd: {  	v1 =	vld [tilespmem:s2+$0x10]  }
0xce: {  	v2 =	vld [tilespmem:s2+$0x20]  }
0xcf: {  	v3 =	vld [tilespmem:s2+$0x30]  }
0xd0: {  	v4 =	vld [tilespmem:s2+$0x40]  }
0xd1: {  	v6 =	vimm.f32 $0.0e+00;
	v5 =	vld [tilespmem:s2+$0x50]  }
0xd2: {  	v7 =	vld [tilespmem:s2+$0x60];
	v0 =	vadd.f32 v0, v6;
	v1 =	vadd.f32 v1, v6  }
0xd3: {  	v6 =	vld [tilespmem:s2+$0x70]  }
0xd4: {  	v8 =	vld [tilespmem:s2+$0x80];
	v2 =	vadd.f32 v2, v0;
	v1 =	vadd.f32 v3, v1  }
0xd5: {  	v9 =	vld [tilespmem:s2+$0x90]  }
0xd6: {  	v0 =	vld [tilespmem:s2+$0xA0];
	v2 =	vadd.f32 v4, v2;
	v4 =	vadd.f32 v5, v1  }
0xd7: {  	v3 =	vld [tilespmem:s2+$0xB0]  }
0xd8: {  	v1 =	vld [tilespmem:s2+$0xC0];
	v5 =	vadd.f32 v7, v2;
	v7 =	vadd.f32 v6, v4  }
0xd9: {  	v4 =	vld [tilespmem:s2+$0xD0]  }
0xda: {  	v2 =	vld [tilespmem:s2+$0xE0];
	v6 =	vadd.f32 v8, v5;
	v7 =	vadd.f32 v9, v7  }
0xdb: {  	s6 =	simm.s32 $0x0;
	v5 =	vld [tilespmem:s2+$0xF0];
	s2 =	simm.s32 $0x5240  }
.LBB2_9:
0xdc: {  	v8 =	vld [tilespmem:s2+$0x0];
	v0 =	vadd.f32 v0, v6;
	v3 =	vadd.f32 v3, v7  }
0xdd: {  	s6 =	sadd.s32 $0x8, s6;
	v6 =	vld [tilespmem:s2+$0x10]  }
0xde: {  	p1 =	slt.u32 s6, $0xC0;
	v7 =	vld [tilespmem:s2+$0x20];
	v0 =	vadd.f32 v1, v0;
	v1 =	vadd.f32 v4, v3  }
0xdf: {  	v3 =	vld [tilespmem:s2+$0x30]  }
0xe0: {  	v4 =	vld [tilespmem:s2+$0x40];
	v0 =	vadd.f32 v2, v0;
	v1 =	vadd.f32 v5, v1  }
0xe1: {  	v2 =	vld [tilespmem:s2+$0x50]  }
0xe2: {  	v0 =	vadd.f32 v8, v0;
	v1 =	vadd.f32 v6, v1;
	v5 =	vld [tilespmem:s2+$0x60]  }
0xe3: {  	v6 =	vld [tilespmem:s2+$0x70]  }
0xe4: {  	v0 =	vadd.f32 v7, v0;
	v1 =	vadd.f32 v3, v1;
	v7 =	vld [tilespmem:s2+$0x80]  }
0xe5: {  	v8 =	vld [tilespmem:s2+$0x90]  }
0xe6: {  	v4 =	vadd.f32 v4, v0;
	v1 =	vadd.f32 v2, v1;
	v0 =	vld [tilespmem:s2+$0xA0]  }
.Ltmp3:
0xe7: {  	v3 =	vld [tilespmem:s2+$0xB0];
	(pc) =	sbr.rel @p1 .LBB2_9-.Ltmp3, $4  }
0xe8: {  	v2 =	vadd.f32 v5, v4;
	v5 =	vadd.f32 v6, v1;
	v1 =	vld [tilespmem:s2+$0xC0]  }
0xe9: {  	v4 =	vld [tilespmem:s2+$0xD0]  }
0xea: {  	v6 =	vadd.f32 v7, v2;
	v7 =	vadd.f32 v8, v5;
	v2 =	vld [tilespmem:s2+$0xE0]  }
0xeb: {  	v5 =	vld [tilespmem:s2+$0xF0];
	s2 =	sadd.s32 $0x100, s2  }
0xec: {  	v0 =	vadd.f32 v0, v6  }
0xed: {  	v3 =	vadd.f32 v3, v7  }
0xee: {  	v0 =	vadd.f32 v1, v0  }
0xef: {  	v1 =	vadd.f32 v4, v3  }
0xf0: {  	v0 =	vadd.f32 v2, v0  }
0xf1: {  	v1 =	vadd.f32 v5, v1  }
0xf2: {  	[tilespmem:s5+$0xCEA0] =	vst v0  }
0xf3: {  	s2 =	simm.s32 @!p0 $0x3;
	[tilespmem:s5+$0xCEB0] =	vst v1  }
0xf4: {  	_ =	swait.ge @!p0 [sflag:s2], $0x320  }
0xf5: {  	s6 =	simm.s32 @!p0 $0x0;
	[sflag:s2] =	ssyncset.done @!p0 $0x0  }
0xf6: {  	s9 =	simm.s32 @!p0 $0x640;
	[sflag:s2] =	ssyncadd.s32 @!p0 $0xFFFFFCE0;
	s2 =	simm.s32 @!p0 $0x80  }
0xf7: {  	[tilespmem:s9], [sflag:$0x1] =	stream.indirect.gather @!p0 [hbm4b:s4+s2], $0x20, s6, s2, $0xb8;
	[tilespmem:$0x10E40] =	vst v63  }
0xf8: {  	s31 =	simm.s32 @!p0 $0x1640;
	s9 =	simm.s32 @!p0 $0x48  }
0xf9: {  	[tilespmem:s31], [sflag:$0x1] =	stream.indirect.gather @!p0 [hbm4b:s4+s9], $0x20, s2, s9, $0xb8;
	[tilespmem:$0x10E40] =	vst v63  }
0xfa: {  	s1 =	simm.s32 @!p0 $0x1F40;
	s31 =	simm.s32 @!p0 $0xC8  }
0xfb: {  	[tilespmem:s1], [sflag:$0x1] =	stream.indirect.gather @!p0 [hbm4b:s4+s2], $0x20, s31, s2, $0xb8;
	[tilespmem:$0x10E40] =	vst v63  }
0xfc: {  	s1 =	simm.s32 @!p0 $0x148;
	s31 =	simm.s32 @!p0 $0x2F40  }
0xfd: {  	[tilespmem:s31], [sflag:$0x1] =	stream.indirect.gather @!p0 [hbm4b:s4+s9], $0x20, s1, s9, $0xb8;
	[tilespmem:$0x10E40] =	vst v63  }
0xfe: {  	s1 =	simm.s32 @!p0 $0x190;
	s31 =	simm.s32 @!p0 $0x3840  }
0xff: {  	[tilespmem:s31], [sflag:$0x1] =	stream.indirect.gather @!p0 [hbm4b:s4+s2], $0x20, s1, s2, $0xb8;
	[tilespmem:$0x10E40] =	vst v63  }
0x100: {  	s1 =	simm.s32 @!p0 $0x210;
	s31 =	simm.s32 @!p0 $0x4840  }
0x101: {  	[tilespmem:s31], [sflag:$0x1] =	stream.indirect.gather @!p0 [hbm4b:s4+s9], $0x20, s1, s9, $0xb8;
	[tilespmem:$0x10E40] =	vst v63  }
0x102: {  	s1 =	simm.s32 @!p0 $0x258;
	s31 =	simm.s32 @!p0 $0x5140  }
0x103: {  	[tilespmem:s31], [sflag:$0x1] =	stream.indirect.gather @!p0 [hbm4b:s4+s2], $0x20, s1, s2, $0xb8;
	[tilespmem:$0x10E40] =	vst v63  }
0x104: {  	s1 =	simm.s32 @!p0 $0x2D8;
	s2 =	simm.s32 @!p0 $0x6140  }
0x105: {  	[tilespmem:s2], [sflag:$0x1] =	stream.indirect.gather @!p0 [hbm4b:s4+s9], $0x20, s1, s9, $0xb8;
	[tilespmem:$0x10E40] =	vst v63  }
0x106: {  	_ =	swait.ge [sflag:s29], $0x1000  }
0x107: {  	[sflag:s29] =	ssyncset.done $0x0  }
0x108: {  	[sflag:s29] =	ssyncadd.s32 $0xFFFFF000  }
0x109: {  	_ =	swait.ge [sflag:s29], $0x900  }
0x10a: {  	[sflag:s29] =	ssyncset.done $0x0  }
0x10b: {  	[sflag:s29] =	ssyncadd.s32 $0xFFFFF700  }
0x10c: {  	_ =	swait.ge [sflag:s29], $0x1000  }
0x10d: {  	[sflag:s29] =	ssyncset.done $0x0  }
0x10e: {  	[sflag:s29] =	ssyncadd.s32 $0xFFFFF000  }
0x10f: {  	_ =	swait.ge [sflag:s29], $0x900  }
0x110: {  	[sflag:s29] =	ssyncset.done $0x0  }
0x111: {  	[sflag:s29] =	ssyncadd.s32 $0xFFFFF700  }
0x112: {  	_ =	swait.ge [sflag:s29], $0x1000  }
0x113: {  	[sflag:s29] =	ssyncset.done $0x0  }
0x114: {  	[sflag:s29] =	ssyncadd.s32 $0xFFFFF000  }
0x115: {  	_ =	swait.ge [sflag:s29], $0x900  }
0x116: {  	[sflag:s29] =	ssyncset.done $0x0  }
0x117: {  	[sflag:s29] =	ssyncadd.s32 $0xFFFFF700  }
0x118: {  	_ =	swait.ge [sflag:s29], $0x1000  }
0x119: {  	[sflag:s29] =	ssyncset.done $0x0  }
0x11a: {  	s1 =	sadd.s32 @!p0 s12, s8;
	[sflag:s29] =	ssyncadd.s32 $0xFFFFF000  }
0x11b: {  	s1 =	smul.u32 @!p0 $0x19, s1;
	_ =	swait.ge [sflag:s29], $0x900  }
0x11c: {  	s31 =	simm.s32 $0x6AC0;
	[sflag:s29] =	ssyncset.done $0x0  }
0x11d: {  	s2 =	simm.s32 @!p0 $0x320;
	s1 =	sadd.s32 @!p0 s3, s1;
	[sflag:s29] =	ssyncadd.s32 $0xFFFFF700  }
0x11e: {  	[tilespmem:s2], [sflag:$0x4] =	stream.linear.gather @!p0 [hbm4b:s1+s6], $0x320, $0x38;
	[tilespmem:$0x10E40] =	vst v63  }
0x11f: {  	v0 =	vld [tilespmem:s31+$0xFFFFFF80]  }
0x120: {  	v1 =	vld [tilespmem:s31+$0xFFFFFF90]  }
0x121: {  	v2 =	vld [tilespmem:s31+$0xFFFFFFA0]  }
0x122: {  	v3 =	vld [tilespmem:s31+$0xFFFFFFB0]  }
0x123: {  	v4 =	vld [tilespmem:s31+$0xFFFFFFC0]  }
0x124: {  	v6 =	vimm.f32 $0.0e+00;
	v5 =	vld [tilespmem:s31+$0xFFFFFFD0]  }
0x125: {  	v7 =	vld [tilespmem:s31+$0xFFFFFFE0];
	v0 =	vadd.f32 v0, v6;
	v1 =	vadd.f32 v1, v6  }
0x126: {  	v6 =	vld [tilespmem:s31+$0xFFFFFFF0]  }
0x127: {  	v8 =	vld [tilespmem:s31+$0x0];
	v2 =	vadd.f32 v2, v0;
	v1 =	vadd.f32 v3, v1  }
0x128: {  	v9 =	vld [tilespmem:s31+$0x10]  }
0x129: {  	v0 =	vld [tilespmem:s31+$0x20];
	v2 =	vadd.f32 v4, v2;
	v4 =	vadd.f32 v5, v1  }
0x12a: {  	v3 =	vld [tilespmem:s31+$0x30]  }
0x12b: {  	v1 =	vld [tilespmem:s31+$0x40];
	v5 =	vadd.f32 v7, v2;
	v7 =	vadd.f32 v6, v4  }
0x12c: {  	v4 =	vld [tilespmem:s31+$0x50]  }
0x12d: {  	v2 =	vld [tilespmem:s31+$0x60];
	v6 =	vadd.f32 v8, v5;
	v7 =	vadd.f32 v9, v7  }
0x12e: {  	s6 =	simm.s32 $0x0;
	s2 =	simm.s32 $0x6BC0;
	v5 =	vld [tilespmem:s31+$0x70]  }
.LBB2_11:
0x12f: {  	v8 =	vld [tilespmem:s2+$0xFFFFFF80];
	v0 =	vadd.f32 v0, v6;
	v3 =	vadd.f32 v3, v7  }
0x130: {  	s6 =	sadd.s32 $0x8, s6;
	v6 =	vld [tilespmem:s2+$0xFFFFFF90]  }
0x131: {  	p0 =	slt.u32 s6, $0xC0;
	v7 =	vld [tilespmem:s2+$0xFFFFFFA0];
	v0 =	vadd.f32 v1, v0;
	v1 =	vadd.f32 v4, v3  }
0x132: {  	v3 =	vld [tilespmem:s2+$0xFFFFFFB0]  }
0x133: {  	v4 =	vld [tilespmem:s2+$0xFFFFFFC0];
	v0 =	vadd.f32 v2, v0;
	v1 =	vadd.f32 v5, v1  }
0x134: {  	v2 =	vld [tilespmem:s2+$0xFFFFFFD0]  }
0x135: {  	v0 =	vadd.f32 v8, v0;
	v1 =	vadd.f32 v6, v1;
	v5 =	vld [tilespmem:s2+$0xFFFFFFE0]  }
0x136: {  	v6 =	vld [tilespmem:s2+$0xFFFFFFF0]  }
0x137: {  	v0 =	vadd.f32 v7, v0;
	v1 =	vadd.f32 v3, v1;
	v7 =	vld [tilespmem:s2+$0x0]  }
0x138: {  	v8 =	vld [tilespmem:s2+$0x10]  }
0x139: {  	v4 =	vadd.f32 v4, v0;
	v1 =	vadd.f32 v2, v1;
	v0 =	vld [tilespmem:s2+$0x20]  }
.Ltmp4:
0x13a: {  	v3 =	vld [tilespmem:s2+$0x30];
	(pc) =	sbr.rel @p0 .LBB2_11-.Ltmp4, $4  }
0x13b: {  	v2 =	vadd.f32 v5, v4;
	v5 =	vadd.f32 v6, v1;
	v1 =	vld [tilespmem:s2+$0x40]  }
0x13c: {  	v4 =	vld [tilespmem:s2+$0x50]  }
0x13d: {  	v6 =	vadd.f32 v7, v2;
	v7 =	vadd.f32 v8, v5;
	v2 =	vld [tilespmem:s2+$0x60]  }
0x13e: {  	v5 =	vld [tilespmem:s2+$0x70];
	s2 =	sadd.s32 $0x100, s2  }
0x13f: {  	v0 =	vadd.f32 v0, v6  }
0x140: {  	v3 =	vadd.f32 v3, v7  }
0x141: {  	v0 =	vadd.f32 v1, v0  }
0x142: {  	v1 =	vadd.f32 v4, v3  }
0x143: {  	v0 =	vadd.f32 v2, v0  }
0x144: {  	v1 =	vadd.f32 v5, v1  }
0x145: {  	[tilespmem:s5+$0xCEC0] =	vst v0  }
0x146: {  	s1 =	simm.s32 $0x8430;
	[tilespmem:s5+$0xCED0] =	vst v1  }
0x147: {  	v0 =	vld [tilespmem:s1+$0xFFFFFF10]  }
0x148: {  	v1 =	vld [tilespmem:s1+$0xFFFFFF20]  }
0x149: {  	v2 =	vld [tilespmem:s1+$0xFFFFFF30]  }
0x14a: {  	v3 =	vld [tilespmem:s1+$0xFFFFFF40]  }
0x14b: {  	v4 =	vld [tilespmem:s1+$0xFFFFFF50]  }
0x14c: {  	v6 =	vimm.f32 $0.0e+00;
	v5 =	vld [tilespmem:s1+$0xFFFFFF60]  }
0x14d: {  	v7 =	vld [tilespmem:s1+$0xFFFFFF70];
	v0 =	vadd.f32 v0, v6;
	v1 =	vadd.f32 v1, v6  }
0x14e: {  	v6 =	vld [tilespmem:s1+$0xFFFFFF80]  }
0x14f: {  	v8 =	vld [tilespmem:s1+$0xFFFFFF90];
	v2 =	vadd.f32 v2, v0;
	v1 =	vadd.f32 v3, v1  }
0x150: {  	v9 =	vld [tilespmem:s1+$0xFFFFFFA0]  }
0x151: {  	v0 =	vld [tilespmem:s1+$0xFFFFFFB0];
	v2 =	vadd.f32 v4, v2;
	v4 =	vadd.f32 v5, v1  }
0x152: {  	v3 =	vld [tilespmem:s1+$0xFFFFFFC0]  }
0x153: {  	v1 =	vld [tilespmem:s1+$0xFFFFFFD0];
	v5 =	vadd.f32 v7, v2;
	v7 =	vadd.f32 v6, v4  }
0x154: {  	v4 =	vld [tilespmem:s1+$0xFFFFFFE0]  }
0x155: {  	v2 =	vld [tilespmem:s1+$0xFFFFFFF0];
	v6 =	vadd.f32 v8, v5;
	v7 =	vadd.f32 v9, v7  }
0x156: {  	s6 =	simm.s32 $0x0;
	s2 =	simm.s32 $0x8530;
	v5 =	vld [tilespmem:s1+$0x0]  }
.LBB2_13:
0x157: {  	v8 =	vld [tilespmem:s2+$0xFFFFFF10];
	v0 =	vadd.f32 v0, v6;
	v3 =	vadd.f32 v3, v7  }
0x158: {  	s6 =	sadd.s32 $0x8, s6;
	v6 =	vld [tilespmem:s2+$0xFFFFFF20]  }
0x159: {  	p0 =	slt.u32 s6, $0xC0;
	v7 =	vld [tilespmem:s2+$0xFFFFFF30];
	v0 =	vadd.f32 v1, v0;
	v1 =	vadd.f32 v4, v3  }
0x15a: {  	v3 =	vld [tilespmem:s2+$0xFFFFFF40]  }
0x15b: {  	v4 =	vld [tilespmem:s2+$0xFFFFFF50];
	v0 =	vadd.f32 v2, v0;
	v1 =	vadd.f32 v5, v1  }
0x15c: {  	v2 =	vld [tilespmem:s2+$0xFFFFFF60]  }
0x15d: {  	v0 =	vadd.f32 v8, v0;
	v1 =	vadd.f32 v6, v1;
	v5 =	vld [tilespmem:s2+$0xFFFFFF70]  }
0x15e: {  	v6 =	vld [tilespmem:s2+$0xFFFFFF80]  }
0x15f: {  	v0 =	vadd.f32 v7, v0;
	v1 =	vadd.f32 v3, v1;
	v7 =	vld [tilespmem:s2+$0xFFFFFF90]  }
0x160: {  	v8 =	vld [tilespmem:s2+$0xFFFFFFA0]  }
0x161: {  	v4 =	vadd.f32 v4, v0;
	v1 =	vadd.f32 v2, v1;
	v0 =	vld [tilespmem:s2+$0xFFFFFFB0]  }
.Ltmp5:
0x162: {  	v3 =	vld [tilespmem:s2+$0xFFFFFFC0];
	(pc) =	sbr.rel @p0 .LBB2_13-.Ltmp5, $4  }
0x163: {  	v2 =	vadd.f32 v5, v4;
	v5 =	vadd.f32 v6, v1;
	v1 =	vld [tilespmem:s2+$0xFFFFFFD0]  }
0x164: {  	v4 =	vld [tilespmem:s2+$0xFFFFFFE0]  }
0x165: {  	v6 =	vadd.f32 v7, v2;
	v7 =	vadd.f32 v8, v5;
	v2 =	vld [tilespmem:s2+$0xFFFFFFF0]  }
0x166: {  	v5 =	vld [tilespmem:s2+$0x0];
	s2 =	sadd.s32 $0x100, s2  }
0x167: {  	v0 =	vadd.f32 v0, v6  }
0x168: {  	v3 =	vadd.f32 v3, v7  }
0x169: {  	v0 =	vadd.f32 v1, v0  }
0x16a: {  	v1 =	vadd.f32 v4, v3  }
0x16b: {  	v0 =	vadd.f32 v2, v0  }
0x16c: {  	v1 =	vadd.f32 v5, v1  }
0x16d: {  	[tilespmem:s5+$0xCEE0] =	vst v0  }
0x16e: {  	s1 =	simm.s32 $0x9D30;
	[tilespmem:s5+$0xCEF0] =	vst v1  }
0x16f: {  	v0 =	vld [tilespmem:s1+$0xFFFFFF10]  }
0x170: {  	v1 =	vld [tilespmem:s1+$0xFFFFFF20]  }
0x171: {  	v2 =	vld [tilespmem:s1+$0xFFFFFF30]  }
0x172: {  	v3 =	vld [tilespmem:s1+$0xFFFFFF40]  }
0x173: {  	v4 =	vld [tilespmem:s1+$0xFFFFFF50]  }
0x174: {  	v6 =	vimm.f32 $0.0e+00;
	v5 =	vld [tilespmem:s1+$0xFFFFFF60]  }
0x175: {  	v7 =	vld [tilespmem:s1+$0xFFFFFF70];
	v0 =	vadd.f32 v0, v6;
	v1 =	vadd.f32 v1, v6  }
0x176: {  	v6 =	vld [tilespmem:s1+$0xFFFFFF80]  }
0x177: {  	v8 =	vld [tilespmem:s1+$0xFFFFFF90];
	v2 =	vadd.f32 v2, v0;
	v1 =	vadd.f32 v3, v1  }
0x178: {  	v9 =	vld [tilespmem:s1+$0xFFFFFFA0]  }
0x179: {  	v0 =	vld [tilespmem:s1+$0xFFFFFFB0];
	v2 =	vadd.f32 v4, v2;
	v4 =	vadd.f32 v5, v1  }
0x17a: {  	v3 =	vld [tilespmem:s1+$0xFFFFFFC0]  }
0x17b: {  	v1 =	vld [tilespmem:s1+$0xFFFFFFD0];
	v5 =	vadd.f32 v7, v2;
	v7 =	vadd.f32 v6, v4  }
0x17c: {  	v4 =	vld [tilespmem:s1+$0xFFFFFFE0]  }
0x17d: {  	v2 =	vld [tilespmem:s1+$0xFFFFFFF0];
	v6 =	vadd.f32 v8, v5;
	v7 =	vadd.f32 v9, v7  }
0x17e: {  	s6 =	simm.s32 $0x0;
	s2 =	simm.s32 $0x9E30;
	v5 =	vld [tilespmem:s1+$0x0]  }
.LBB2_15:
0x17f: {  	v8 =	vld [tilespmem:s2+$0xFFFFFF10];
	v0 =	vadd.f32 v0, v6;
	v3 =	vadd.f32 v3, v7  }
0x180: {  	s6 =	sadd.s32 $0x8, s6;
	v6 =	vld [tilespmem:s2+$0xFFFFFF20]  }
0x181: {  	p0 =	slt.u32 s6, $0xC0;
	v7 =	vld [tilespmem:s2+$0xFFFFFF30];
	v0 =	vadd.f32 v1, v0;
	v1 =	vadd.f32 v4, v3  }
0x182: {  	v3 =	vld [tilespmem:s2+$0xFFFFFF40]  }
0x183: {  	v4 =	vld [tilespmem:s2+$0xFFFFFF50];
	v0 =	vadd.f32 v2, v0;
	v1 =	vadd.f32 v5, v1  }
0x184: {  	v2 =	vld [tilespmem:s2+$0xFFFFFF60]  }
0x185: {  	v0 =	vadd.f32 v8, v0;
	v1 =	vadd.f32 v6, v1;
	v5 =	vld [tilespmem:s2+$0xFFFFFF70]  }
0x186: {  	v6 =	vld [tilespmem:s2+$0xFFFFFF80]  }
0x187: {  	v0 =	vadd.f32 v7, v0;
	v1 =	vadd.f32 v3, v1;
	v7 =	vld [tilespmem:s2+$0xFFFFFF90]  }
0x188: {  	v8 =	vld [tilespmem:s2+$0xFFFFFFA0]  }
0x189: {  	v4 =	vadd.f32 v4, v0;
	v1 =	vadd.f32 v2, v1;
	v0 =	vld [tilespmem:s2+$0xFFFFFFB0]  }
.Ltmp6:
0x18a: {  	v3 =	vld [tilespmem:s2+$0xFFFFFFC0];
	(pc) =	sbr.rel @p0 .LBB2_15-.Ltmp6, $4  }
0x18b: {  	v2 =	vadd.f32 v5, v4;
	v5 =	vadd.f32 v6, v1;
	v1 =	vld [tilespmem:s2+$0xFFFFFFD0]  }
0x18c: {  	v4 =	vld [tilespmem:s2+$0xFFFFFFE0]  }
0x18d: {  	v6 =	vadd.f32 v7, v2;
	v7 =	vadd.f32 v8, v5;
	v2 =	vld [tilespmem:s2+$0xFFFFFFF0]  }
0x18e: {  	v5 =	vld [tilespmem:s2+$0x0];
	s2 =	sadd.s32 $0x100, s2  }
0x18f: {  	v0 =	vadd.f32 v0, v6  }
0x190: {  	v3 =	vadd.f32 v3, v7  }
0x191: {  	v0 =	vadd.f32 v1, v0  }
0x192: {  	v1 =	vadd.f32 v4, v3  }
0x193: {  	v0 =	vadd.f32 v2, v0  }
0x194: {  	v1 =	vadd.f32 v5, v1  }
0x195: {  	[tilespmem:s5+$0xCF00] =	vst v0  }
0x196: {  	s1 =	simm.s32 $0xB540;
	[tilespmem:s5+$0xCF10] =	vst v1  }
0x197: {  	v0 =	vld [tilespmem:s1+$0x0]  }
0x198: {  	v1 =	vld [tilespmem:s1+$0x10]  }
0x199: {  	v2 =	vld [tilespmem:s1+$0x20]  }
0x19a: {  	v3 =	vld [tilespmem:s1+$0x30]  }
0x19b: {  	v4 =	vld [tilespmem:s1+$0x40]  }
0x19c: {  	v6 =	vimm.f32 $0.0e+00;
	v5 =	vld [tilespmem:s1+$0x50]  }
0x19d: {  	v7 =	vld [tilespmem:s1+$0x60];
	v0 =	vadd.f32 v0, v6;
	v1 =	vadd.f32 v1, v6  }
0x19e: {  	v6 =	vld [tilespmem:s1+$0x70]  }
0x19f: {  	v8 =	vld [tilespmem:s1+$0x80];
	v2 =	vadd.f32 v2, v0;
	v1 =	vadd.f32 v3, v1  }
0x1a0: {  	v9 =	vld [tilespmem:s1+$0x90]  }
0x1a1: {  	v0 =	vld [tilespmem:s1+$0xA0];
	v2 =	vadd.f32 v4, v2;
	v4 =	vadd.f32 v5, v1  }
0x1a2: {  	v3 =	vld [tilespmem:s1+$0xB0]  }
0x1a3: {  	v1 =	vld [tilespmem:s1+$0xC0];
	v5 =	vadd.f32 v7, v2;
	v7 =	vadd.f32 v6, v4  }
0x1a4: {  	v4 =	vld [tilespmem:s1+$0xD0]  }
0x1a5: {  	v2 =	vld [tilespmem:s1+$0xE0];
	v6 =	vadd.f32 v8, v5;
	v7 =	vadd.f32 v9, v7  }
0x1a6: {  	s6 =	simm.s32 $0x0;
	s2 =	simm.s32 $0xB640;
	v5 =	vld [tilespmem:s1+$0xF0]  }
.LBB2_17:
0x1a7: {  	v8 =	vld [tilespmem:s2+$0x0];
	v0 =	vadd.f32 v0, v6;
	v3 =	vadd.f32 v3, v7  }
0x1a8: {  	s6 =	sadd.s32 $0x8, s6;
	v6 =	vld [tilespmem:s2+$0x10]  }
0x1a9: {  	p0 =	slt.u32 s6, $0xC0;
	v7 =	vld [tilespmem:s2+$0x20];
	v0 =	vadd.f32 v1, v0;
	v1 =	vadd.f32 v4, v3  }
0x1aa: {  	v3 =	vld [tilespmem:s2+$0x30]  }
0x1ab: {  	v4 =	vld [tilespmem:s2+$0x40];
	v0 =	vadd.f32 v2, v0;
	v1 =	vadd.f32 v5, v1  }
0x1ac: {  	v2 =	vld [tilespmem:s2+$0x50]  }
0x1ad: {  	v0 =	vadd.f32 v8, v0;
	v1 =	vadd.f32 v6, v1;
	v5 =	vld [tilespmem:s2+$0x60]  }
0x1ae: {  	v6 =	vld [tilespmem:s2+$0x70]  }
0x1af: {  	v0 =	vadd.f32 v7, v0;
	v1 =	vadd.f32 v3, v1;
	v7 =	vld [tilespmem:s2+$0x80]  }
0x1b0: {  	v8 =	vld [tilespmem:s2+$0x90]  }
0x1b1: {  	v4 =	vadd.f32 v4, v0;
	v1 =	vadd.f32 v2, v1;
	v0 =	vld [tilespmem:s2+$0xA0]  }
.Ltmp7:
0x1b2: {  	v3 =	vld [tilespmem:s2+$0xB0];
	(pc) =	sbr.rel @p0 .LBB2_17-.Ltmp7, $4  }
0x1b3: {  	v2 =	vadd.f32 v5, v4;
	v5 =	vadd.f32 v6, v1;
	v1 =	vld [tilespmem:s2+$0xC0]  }
0x1b4: {  	v4 =	vld [tilespmem:s2+$0xD0]  }
0x1b5: {  	v6 =	vadd.f32 v7, v2;
	v7 =	vadd.f32 v8, v5;
	v2 =	vld [tilespmem:s2+$0xE0]  }
0x1b6: {  	v5 =	vld [tilespmem:s2+$0xF0];
	s2 =	sadd.s32 $0x100, s2  }
0x1b7: {  	v0 =	vadd.f32 v0, v6  }
0x1b8: {  	v3 =	vadd.f32 v3, v7;
	s10 =	sadd.s32 $0x1, s10  }
0x1b9: {  	p0 =	sne.s32 s10, $0x40;
	v0 =	vadd.f32 v1, v0  }
.Ltmp8:
0x1ba: {  	v63 =	vadd.f32 v4, v3;
	(pc) =	sbr.rel @p0 .LBB2_2-.Ltmp8, $4  }
0x1bb: {  	v0 =	vadd.f32 v2, v0  }
0x1bc: {  	v1 =	vadd.f32 v5, v63  }
0x1bd: {  	[tilespmem:s5+$0xCF20] =	vst v0  }
0x1be: {  	[tilespmem:s5+$0xCF30] =	vst v1  }
0x1bf: {  	s9 =	simm.s32 $0x0  }
0x1c0: {  	s1 =	rddreg [dreg:$0x5];
	s2 =	simm.s32 $0xCE40;
	s12 =	simm.s32 $0x5  }
0x1c1: {  	[hbm4b:s1+s9] =	stream.linear.scatter [tilespmem:s2], [sflag:$0x5], $0x4000, $0x38;
	[tilespmem:$0x10E40] =	vst v63  }
0x1c2: {  	_ =	swait.ge [sflag:s12], $0x4000  }
0x1c3: {  	s5 =	rddreg [dreg:$0x7]  }
0x1c4: {  	s31 =	rddreg [dreg:$0x6];
	s5 =	sadd.s32 $0x1, s5  }
0x1c5: {  	p0 =	sne.s32 s5, s31  }
.Ltmp9:
0x1c6: {  	_ = 	snop;
	(pc) =	sbr.rel @p0 .LBB2_1-.Ltmp9, $3  }
0x1c7: {  	_ =	sdelay $0x1  }
0x1c8: {  	[sflag:s12] =	ssyncset.done $0x0  }
0x1c9: {  	[sflag:s12] =	ssyncadd.s32 $0xFFFFC000  }
0x1ca: {  	_ =	sfence.sel $0x180000  }
0x1cb: {  	[bflag:$0x0] =	sbarrier.arrive $0xFFFF  }
0x1cc: {  	_ =	strace $0x90000047  }
0x1cd: {  	s0 =	stileid.u32;
	[bflag:$0x2] =	sbarrier.arrive $0xFFFF  }
0x1ce: {  	p0 =	sne.s32 s0, $0x0;
	s0 =	rddreg [dreg:$0x2]  }
0x1cf: {  	s0 =	sadd.s32 @!p0 $0x100000, s0  }
0x1d0: {  	[sflag:s0] =	ssyncadd.tile.s32 @!p0 $0x1;
	_ =	shalt  }
.Lfunc_end2:
_tile_overlayer_lowered:
.L_overlay_start_2:
0x1d1: {  	(tag) =	ssettag $0x2  }
0x1d2: {  	s0 =	rddreg [dreg:$0x0];
	s2 =	stileid.u32  }
0x1d3: {  	s1 =	rddreg [dreg:$0x1];
	p0 =	sne.s32 s2, $0x0  }
0x1d4: {  	s3 =	rddreg [dreg:$0x2];
	[bflag:$0x3] =	sbarrier.arrive $0xFFFF;
	s2 =	simm.s32 @!p0 $0x1C05  }
0x1d5: {  	[timem:s3], [sflag:s2] =	dma.local @!p0 [hbm:s0], s1  }
0x1d6: {  	s0 =	simm.s32 @!p0 $0x5  }
0x1d7: {  	_ =	swait.ge @!p0 [sflag:s0], s1  }
0x1d8: {  	s1 =	ssub.s32 @!p0 $0x0, s1;
	[sflag:s0] =	ssyncset.done @!p0 $0x0  }
0x1d9: {  	[sflag:s0] =	ssyncadd.s32 @!p0 s1  }
0x1da: {  	[bflag:$0x3] =	sbarrier.arrive $0xFFFF  }
0x1db: {  	_ =	shalt  }

</sc_bundles>
